<compile_context>
chip_gen: v7x
topology: tpu7x:2x2x1
jax: 0.10.2.dev20260603
libtpu: 0.0.44.dev20260713+nightly
codegen_flags: <defaults>
</compile_context>

<pallas_src>
import functools
import jax
import jax.numpy as jnp
from jax import lax
from jax.experimental import pallas as pl
from jax.experimental.pallas import tpu as pltpu
from jax.experimental.pallas import tpu_sc as plsc

B, T, H, D_BERT = 16, 2048, 512, 1024
NUM_PHONEMES, NUM_TONES, NUM_LANGUAGES = 512, 16, 8

_CONTRACT = (((1,), (0,)), ((), ()))
_CONTRACT00 = (((0,), (0,)), ((), ()))

NW = 32
TOK = B * T
TOK_PER_W = TOK // NW
CHUNK = 64
N_CHUNK = TOK_PER_W // CHUNK


def _sc_emb(pid_hbm, tid_hbm, lid_hbm, ptab_hbm, ttab_hbm, ltab_hbm,
            out_hbm, pidx_v, tidx_v, lidx_v, prows_v, trows_v, lrows_v,
            sem0, sem1, sem2):
    wid = lax.axis_index("s") * 2 + lax.axis_index("c")
    w_base = wid * TOK_PER_W

    def chunk_body(c, carry):
        base = w_base + c * CHUNK
        pltpu.sync_copy(pid_hbm.at[pl.ds(base, CHUNK)], pidx_v)
        pltpu.sync_copy(tid_hbm.at[pl.ds(base, CHUNK)], tidx_v)
        pltpu.sync_copy(lid_hbm.at[pl.ds(base, CHUNK)], lidx_v)
        cp0 = pltpu.async_copy(ptab_hbm.at[pidx_v], prows_v, sem0)
        cp1 = pltpu.async_copy(ttab_hbm.at[tidx_v], trows_v, sem1)
        cp2 = pltpu.async_copy(ltab_hbm.at[lidx_v], lrows_v, sem2)
        cp0.wait()
        cp1.wait()
        cp2.wait()

        def add_body(i, carry2):
            tok = i // (H // 16)
            j = (i % (H // 16)) * 16
            s = pl.ds(j, 16)
            prows_v[tok, s] = (prows_v[tok, s] + trows_v[tok, s]
                               + lrows_v[tok, s])
            return carry2

        lax.fori_loop(0, CHUNK * (H // 16), add_body, 0, unroll=8)
        pltpu.sync_copy(prows_v, out_hbm.at[pl.ds(base, CHUNK)])
        return carry

    lax.fori_loop(0, N_CHUNK, chunk_body, 0)


def _sc_gather_sum(pid, tid, lid, ptab, ttab, ltab):
    mesh = plsc.VectorSubcoreMesh(core_axis_name="c", subcore_axis_name="s")
    f = pl.kernel(
        _sc_emb,
        mesh=mesh,
        out_type=jax.ShapeDtypeStruct((TOK, H), jnp.float32),
        scratch_types=[
            pltpu.VMEM((CHUNK,), jnp.int32),
            pltpu.VMEM((CHUNK,), jnp.int32),
            pltpu.VMEM((CHUNK,), jnp.int32),
            pltpu.VMEM((CHUNK, H), jnp.float32),
            pltpu.VMEM((CHUNK, H), jnp.float32),
            pltpu.VMEM((CHUNK, H), jnp.float32),
            pltpu.SemaphoreType.DMA,
            pltpu.SemaphoreType.DMA,
            pltpu.SemaphoreType.DMA,
        ],
    )
    return f(pid.reshape(TOK), tid.reshape(TOK), lid.reshape(TOK),
             ptab, ttab, ltab)


T_BLK = 256
N_TBLK = T // T_BLK


def _tc_kernel(feats_ref, emb_ref, w_ref, out_ref):
    feats = feats_ref[0].astype(jnp.bfloat16)
    acc = lax.dot_general(w_ref[...], feats, _CONTRACT,
                          preferred_element_type=jnp.float32)
    io = lax.broadcasted_iota(jnp.int32, (T_BLK, T_BLK), 0)
    it = lax.broadcasted_iota(jnp.int32, (T_BLK, T_BLK), 1)
    ident = (io == it).astype(jnp.bfloat16)
    emb = emb_ref[0].astype(jnp.bfloat16)
    acc += lax.dot_general(emb, ident, _CONTRACT00,
                           preferred_element_type=jnp.float32)
    out_ref[0] = acc


def kernel(phoneme_ids, tone_ids, language_ids, bert_feats,
           phoneme_table, tone_table, language_table, W_bert):
    emb = _sc_gather_sum(phoneme_ids, tone_ids, language_ids,
                         phoneme_table, tone_table, language_table)
    emb = emb.reshape(B, T, H)
    w_bf = W_bert.astype(jnp.bfloat16)

    grid = (B, N_TBLK)
    out = pl.pallas_call(
        _tc_kernel,
        grid=grid,
        in_specs=[
            pl.BlockSpec((1, D_BERT, T_BLK), lambda b, tb: (b, 0, tb)),
            pl.BlockSpec((1, T_BLK, H), lambda b, tb: (b, tb, 0)),
            pl.BlockSpec((H, D_BERT), lambda b, tb: (0, 0)),
        ],
        out_specs=pl.BlockSpec((1, H, T_BLK), lambda b, tb: (b, 0, tb)),
        out_shape=jax.ShapeDtypeStruct((B, H, T), jnp.float32),
        compiler_params=pltpu.CompilerParams(
            dimension_semantics=("parallel", "parallel"),
        ),
    )(bert_feats, emb, w_bf)
    return out

# --- scband reference (transcript-rebuilt; emitter-appended) ---
"""Pipeline reference for scband-text-input-embedding-18760417149566 (READ-ONLY COPY).

The authoritative reference and input builder live on the scoring server;
editing this copy changes nothing except your own understanding.
"""

import jax, jax.numpy as jnp
import numpy as np

B, T, H, D_BERT = 16, 2048, 512, 1024
NUM_PHONEMES, NUM_TONES, NUM_LANGUAGES = 512, 16, 8

def setup_inputs(seed: int = 0) -> dict:
    key = jax.random.key(seed)
    k1, k2, k3, k4, k5, k6, k7, k8 = jax.random.split(key, 8)
    phoneme_ids = jax.random.randint(k1, (B, T), 0, NUM_PHONEMES, dtype=jnp.int64 if jax.config.jax_enable_x64 else jnp.int32)
    tone_ids = jax.random.randint(k2, (B, T), 0, NUM_TONES, dtype=jnp.int64 if jax.config.jax_enable_x64 else jnp.int32)
    language_ids = jax.random.randint(k3, (B, T), 0, NUM_LANGUAGES, dtype=jnp.int64 if jax.config.jax_enable_x64 else jnp.int32)
    bert_feats = jax.random.normal(k4, (B, D_BERT, T), dtype=jnp.float32)
    # learned parameters
    phoneme_table = jax.random.normal(k5, (NUM_PHONEMES, H), dtype=jnp.float32)
    tone_table = jax.random.normal(k6, (NUM_TONES, H), dtype=jnp.float32)
    language_table = jax.random.normal(k7, (NUM_LANGUAGES, H), dtype=jnp.float32)
    W_bert = jax.random.normal(k8, (H, D_BERT), dtype=jnp.float32) * (1.0 / np.sqrt(D_BERT))
    return {
        "phoneme_ids": phoneme_ids,
        "tone_ids": tone_ids,
        "language_ids": language_ids,
        "bert_feats": bert_feats,
        "phoneme_table": phoneme_table,
        "tone_table": tone_table,
        "language_table": language_table,
        "W_bert": W_bert,
    }

def reference(phoneme_ids, tone_ids, language_ids, bert_feats, phoneme_table, tone_table, language_table, W_bert):
    # embedding lookups (gather)
    phoneme_emb = jnp.take(phoneme_table, phoneme_ids, axis=0)       # [B, T, H]
    tone_emb = jnp.take(tone_table, tone_ids, axis=0)                # [B, T, H]
    language_emb = jnp.take(language_table, language_ids, axis=0)    # [B, T, H]
    # bert projection: transpose [B, D_bert, T] -> [B, T, D_bert], then Linear (no bias)
    bert_t = jnp.swapaxes(bert_feats, 1, 2)                          # [B, T, D_bert]
    bert_emb = jnp.einsum('btd,hd->bth', bert_t, W_bert)             # [B, T, H]
    x = phoneme_emb + tone_emb + language_emb + bert_emb             # [B, T, H]
    x = jnp.swapaxes(x, 1, 2)                                        # [B, H, T]
    return x

if __name__ == "__main__":
    import jax
    _d = setup_inputs()
    print(jax.jit(kernel)(*tuple(_d.values())))

</pallas_src>

<mosaic_0001>
#map = affine_map<(d0, d1) -> (0)>
#map1 = affine_map<(d0, d1) -> (0, 0)>
module attributes {stable_mosaic.version = 14 : i64} {
  func.func @_sc_emb(%arg0: i32, %arg1: i32, %arg2: memref<32768xi32, #tpu.memory_space<hbm>>, %arg3: memref<32768xi32, #tpu.memory_space<hbm>>, %arg4: memref<32768xi32, #tpu.memory_space<hbm>>, %arg5: memref<512x512xf32, #tpu.memory_space<hbm>>, %arg6: memref<16x512xf32, #tpu.memory_space<hbm>>, %arg7: memref<8x512xf32, #tpu.memory_space<hbm>>, %arg8: memref<32768x512xf32, #tpu.memory_space<hbm>>, %arg9: memref<64xi32, #tpu.memory_space<vmem>>, %arg10: memref<64xi32, #tpu.memory_space<vmem>>, %arg11: memref<64xi32, #tpu.memory_space<vmem>>, %arg12: memref<64x512xf32, #tpu.memory_space<vmem>>, %arg13: memref<64x512xf32, #tpu.memory_space<vmem>>, %arg14: memref<64x512xf32, #tpu.memory_space<vmem>>, %arg15: memref<!tpu.dma_semaphore, #tpu.memory_space<semaphore_mem>>, %arg16: memref<!tpu.dma_semaphore, #tpu.memory_space<semaphore_mem>>, %arg17: memref<!tpu.dma_semaphore, #tpu.memory_space<semaphore_mem>>) attributes {dimension_semantics = [#tpu.dimension_semantics<core_parallel>, #tpu.dimension_semantics<subcore_parallel>], iteration_bounds = array<i64: 2, 16>, scalar_prefetch = 0 : i64, scratch_operands = 9 : i64, tpu.core_type = #tpu.core_type<sc_vector_subcore>, window_params = [{transform_indices = #map}, {transform_indices = #map}, {transform_indices = #map}, {transform_indices = #map1}, {transform_indices = #map1}, {transform_indices = #map1}, {transform_indices = #map1}]} {
    %mul3A = arith.constant 2 : i32
    %mul3A_0 = arith.muli %arg1, %mul3A : i32
    %add3A = arith.addi %mul3A_0, %arg0 : i32
    %mul3A_1 = arith.constant 1024 : i32
    %mul3A_2 = arith.muli %add3A, %mul3A_1 : i32
    %scan3A = arith.constant 0 : i32
    %scan3A_3 = arith.constant 0 : i32
    %scan3A_4 = arith.constant 16 : i32
    %scan3A_5 = arith.addi %scan3A_3, %scan3A_4 : i32
    %scan3A_6 = arith.constant 1 : i32
    scf.for %scan3A_8 = %scan3A_3 to %scan3A_5 step %scan3A_6  : i32 {
      %mul3A_9 = arith.constant 64 : i32
      %mul3A_10 = arith.muli %scan3A_8, %mul3A_9 : i32
      %add3A_11 = arith.addi %mul3A_2, %mul3A_10 : i32
      "tpu.region"() ({
        %run_scoped3A = tpu.sem_alloc : memref<!tpu.dma_semaphore, #tpu.memory_space<semaphore_mem>>
        %dma_start3A_34 = tpu.memref_slice %arg2[%add3A_11] : memref<32768xi32, #tpu.memory_space<hbm>> -> memref<64xi32, #tpu.memory_space<hbm>>
        %dma_start3A_35 = tpu.memref_slice %arg2[%add3A_11] : memref<32768xi32, #tpu.memory_space<hbm>> -> memref<64xi32, #tpu.memory_space<hbm>>
        tpu.enqueue_dma source(%dma_start3A_35 : memref<64xi32, #tpu.memory_space<hbm>>) target(%arg9 : memref<64xi32, #tpu.memory_space<vmem>>) target_semaphore(%run_scoped3A : memref<!tpu.dma_semaphore, #tpu.memory_space<semaphore_mem>>)
        %dma_wait3A_36 = tpu.memref_slice %arg2[%add3A_11] : memref<32768xi32, #tpu.memory_space<hbm>> -> memref<64xi32, #tpu.memory_space<hbm>>
        %dma_wait3A_37 = tpu.memref_slice %arg2[%add3A_11] : memref<32768xi32, #tpu.memory_space<hbm>> -> memref<64xi32, #tpu.memory_space<hbm>>
        tpu.wait_dma2 semaphore(%run_scoped3A : memref<!tpu.dma_semaphore, #tpu.memory_space<semaphore_mem>>) src(%dma_wait3A_37 : memref<64xi32, #tpu.memory_space<hbm>>) dst(%arg9 : memref<64xi32, #tpu.memory_space<vmem>>)
        tpu.yield
      }) : () -> ()
      "tpu.region"() ({
        %run_scoped3A = tpu.sem_alloc : memref<!tpu.dma_semaphore, #tpu.memory_space<semaphore_mem>>
        %dma_start3A_34 = tpu.memref_slice %arg3[%add3A_11] : memref<32768xi32, #tpu.memory_space<hbm>> -> memref<64xi32, #tpu.memory_space<hbm>>
        %dma_start3A_35 = tpu.memref_slice %arg3[%add3A_11] : memref<32768xi32, #tpu.memory_space<hbm>> -> memref<64xi32, #tpu.memory_space<hbm>>
        tpu.enqueue_dma source(%dma_start3A_35 : memref<64xi32, #tpu.memory_space<hbm>>) target(%arg10 : memref<64xi32, #tpu.memory_space<vmem>>) target_semaphore(%run_scoped3A : memref<!tpu.dma_semaphore, #tpu.memory_space<semaphore_mem>>)
        %dma_wait3A_36 = tpu.memref_slice %arg3[%add3A_11] : memref<32768xi32, #tpu.memory_space<hbm>> -> memref<64xi32, #tpu.memory_space<hbm>>
        %dma_wait3A_37 = tpu.memref_slice %arg3[%add3A_11] : memref<32768xi32, #tpu.memory_space<hbm>> -> memref<64xi32, #tpu.memory_space<hbm>>
        tpu.wait_dma2 semaphore(%run_scoped3A : memref<!tpu.dma_semaphore, #tpu.memory_space<semaphore_mem>>) src(%dma_wait3A_37 : memref<64xi32, #tpu.memory_space<hbm>>) dst(%arg10 : memref<64xi32, #tpu.memory_space<vmem>>)
        tpu.yield
      }) : () -> ()
      "tpu.region"() ({
        %run_scoped3A = tpu.sem_alloc : memref<!tpu.dma_semaphore, #tpu.memory_space<semaphore_mem>>
        %dma_start3A_34 = tpu.memref_slice %arg4[%add3A_11] : memref<32768xi32, #tpu.memory_space<hbm>> -> memref<64xi32, #tpu.memory_space<hbm>>
        %dma_start3A_35 = tpu.memref_slice %arg4[%add3A_11] : memref<32768xi32, #tpu.memory_space<hbm>> -> memref<64xi32, #tpu.memory_space<hbm>>
        tpu.enqueue_dma source(%dma_start3A_35 : memref<64xi32, #tpu.memory_space<hbm>>) target(%arg11 : memref<64xi32, #tpu.memory_space<vmem>>) target_semaphore(%run_scoped3A : memref<!tpu.dma_semaphore, #tpu.memory_space<semaphore_mem>>)
        %dma_wait3A_36 = tpu.memref_slice %arg4[%add3A_11] : memref<32768xi32, #tpu.memory_space<hbm>> -> memref<64xi32, #tpu.memory_space<hbm>>
        %dma_wait3A_37 = tpu.memref_slice %arg4[%add3A_11] : memref<32768xi32, #tpu.memory_space<hbm>> -> memref<64xi32, #tpu.memory_space<hbm>>
        tpu.wait_dma2 semaphore(%run_scoped3A : memref<!tpu.dma_semaphore, #tpu.memory_space<semaphore_mem>>) src(%dma_wait3A_37 : memref<64xi32, #tpu.memory_space<hbm>>) dst(%arg11 : memref<64xi32, #tpu.memory_space<vmem>>)
        tpu.yield
      }) : () -> ()
      %dma_start3A = arith.constant 0 : i32
      %dma_start3A_12 = arith.constant 0 : i32
      %dma_start3A_13 = tpu.memref_slice %arg5[%dma_start3A, %dma_start3A_12] : memref<512x512xf32, #tpu.memory_space<hbm>> -> memref<512x512xf32, #tpu.memory_space<hbm>>
      tpu.enqueue_indirect_dma source(%dma_start3A_13 : memref<512x512xf32, #tpu.memory_space<hbm>>) target(%arg12 : memref<64x512xf32, #tpu.memory_space<vmem>>) offsets(%arg9 : memref<64xi32, #tpu.memory_space<vmem>>) semaphore(%arg15 : memref<!tpu.dma_semaphore, #tpu.memory_space<semaphore_mem>>)
      %dma_start3A_14 = arith.constant 0 : i32
      %dma_start3A_15 = arith.constant 0 : i32
      %dma_start3A_16 = tpu.memref_slice %arg6[%dma_start3A_14, %dma_start3A_15] : memref<16x512xf32, #tpu.memory_space<hbm>> -> memref<16x512xf32, #tpu.memory_space<hbm>>
      tpu.enqueue_indirect_dma source(%dma_start3A_16 : memref<16x512xf32, #tpu.memory_space<hbm>>) target(%arg13 : memref<64x512xf32, #tpu.memory_space<vmem>>) offsets(%arg10 : memref<64xi32, #tpu.memory_space<vmem>>) semaphore(%arg16 : memref<!tpu.dma_semaphore, #tpu.memory_space<semaphore_mem>>)
      %dma_start3A_17 = arith.constant 0 : i32
      %dma_start3A_18 = arith.constant 0 : i32
      %dma_start3A_19 = tpu.memref_slice %arg7[%dma_start3A_17, %dma_start3A_18] : memref<8x512xf32, #tpu.memory_space<hbm>> -> memref<8x512xf32, #tpu.memory_space<hbm>>
      tpu.enqueue_indirect_dma source(%dma_start3A_19 : memref<8x512xf32, #tpu.memory_space<hbm>>) target(%arg14 : memref<64x512xf32, #tpu.memory_space<vmem>>) offsets(%arg11 : memref<64xi32, #tpu.memory_space<vmem>>) semaphore(%arg17 : memref<!tpu.dma_semaphore, #tpu.memory_space<semaphore_mem>>)
      %dma_wait3A = arith.constant 0 : i32
      %dma_wait3A_20 = arith.constant 0 : i32
      %dma_wait3A_21 = tpu.memref_slice %arg5[%dma_wait3A, %dma_wait3A_20] : memref<512x512xf32, #tpu.memory_space<hbm>> -> memref<512x512xf32, #tpu.memory_space<hbm>>
      tpu.wait_indirect_dma semaphore(%arg15 : memref<!tpu.dma_semaphore, #tpu.memory_space<semaphore_mem>>) src(%dma_wait3A_21 : memref<512x512xf32, #tpu.memory_space<hbm>>) dst(%arg12 : memref<64x512xf32, #tpu.memory_space<vmem>>)
      %dma_wait3A_22 = arith.constant 0 : i32
      %dma_wait3A_23 = arith.constant 0 : i32
      %dma_wait3A_24 = tpu.memref_slice %arg6[%dma_wait3A_22, %dma_wait3A_23] : memref<16x512xf32, #tpu.memory_space<hbm>> -> memref<16x512xf32, #tpu.memory_space<hbm>>
      tpu.wait_indirect_dma semaphore(%arg16 : memref<!tpu.dma_semaphore, #tpu.memory_space<semaphore_mem>>) src(%dma_wait3A_24 : memref<16x512xf32, #tpu.memory_space<hbm>>) dst(%arg13 : memref<64x512xf32, #tpu.memory_space<vmem>>)
      %dma_wait3A_25 = arith.constant 0 : i32
      %dma_wait3A_26 = arith.constant 0 : i32
      %dma_wait3A_27 = tpu.memref_slice %arg7[%dma_wait3A_25, %dma_wait3A_26] : memref<8x512xf32, #tpu.memory_space<hbm>> -> memref<8x512xf32, #tpu.memory_space<hbm>>
      tpu.wait_indirect_dma semaphore(%arg17 : memref<!tpu.dma_semaphore, #tpu.memory_space<semaphore_mem>>) src(%dma_wait3A_27 : memref<8x512xf32, #tpu.memory_space<hbm>>) dst(%arg14 : memref<64x512xf32, #tpu.memory_space<vmem>>)
      %scan3A_28 = arith.constant 0 : i32
      %scan3A_29 = arith.constant 0 : i32
      %scan3A_30 = arith.constant 2048 : i32
      %scan3A_31 = arith.addi %scan3A_29, %scan3A_30 : i32
      %scan3A_32 = arith.constant 8 : i32
      scf.for %scan3A_34 = %scan3A_29 to %scan3A_31 step %scan3A_32  : i32 {
        %jit3A = arith.constant 32 : i32
        %div3A = arith.divsi %scan3A_34, %jit3A : i32
        %sign3A = arith.constant 0 : i32
        %sign3A_35 = arith.cmpi sgt, %scan3A_34, %sign3A : i32
        %sign3A_36 = arith.extui %sign3A_35 : i1 to i32
        %sign3A_37 = arith.constant 0 : i32
        %sign3A_38 = arith.cmpi slt, %scan3A_34, %sign3A_37 : i32
        %sign3A_39 = arith.extui %sign3A_38 : i1 to i32
        %sign3A_40 = arith.subi %sign3A_36, %sign3A_39 : i32
        %sign3A_41 = arith.constant 0 : i32
        %sign3A_42 = arith.cmpi sgt, %jit3A, %sign3A_41 : i32
        %sign3A_43 = arith.extui %sign3A_42 : i1 to i32
        %sign3A_44 = arith.constant 0 : i32
        %sign3A_45 = arith.cmpi slt, %jit3A, %sign3A_44 : i32
        %sign3A_46 = arith.extui %sign3A_45 : i1 to i32
        %sign3A_47 = arith.subi %sign3A_43, %sign3A_46 : i32
        %ne3A = arith.cmpi ne, %sign3A_40, %sign3A_47 : i32
        %rem3A = arith.remsi %scan3A_34, %jit3A : i32
        %ne3A_48 = arith.constant 0 : i32
        %ne3A_49 = arith.cmpi ne, %rem3A, %ne3A_48 : i32
        %and3A = arith.andi %ne3A, %ne3A_49 : i1
        %sub3A = arith.constant 1 : i32
        %sub3A_50 = arith.subi %div3A, %sub3A : i32
        %select_n3A = arith.select %and3A, %sub3A_50, %div3A : i32
        %jit3A_51 = arith.constant 32 : i32
        %eq3A = arith.constant 0 : i32
        %eq3A_52 = arith.cmpi eq, %jit3A_51, %eq3A : i32
        %jit3A_53 = arith.constant 1 : i32
        %select_n3A_54 = arith.select %eq3A_52, %jit3A_53, %jit3A_51 : i32
        %rem3A_55 = arith.remsi %scan3A_34, %select_n3A_54 : i32
        %ne3A_56 = arith.constant 0 : i32
        %ne3A_57 = arith.cmpi ne, %rem3A_55, %ne3A_56 : i32
        %lt3A = arith.constant 0 : i32
        %lt3A_58 = arith.cmpi slt, %rem3A_55, %lt3A : i32
        %lt3A_59 = arith.constant 0 : i32
        %lt3A_60 = arith.cmpi slt, %select_n3A_54, %lt3A_59 : i32
        %ne3A_61 = arith.xori %lt3A_58, %lt3A_60 : i1
        %and3A_62 = arith.andi %ne3A_61, %ne3A_57 : i1
        %add3A_63 = arith.addi %rem3A_55, %select_n3A_54 : i32
        %select_n3A_64 = arith.select %and3A_62, %add3A_63, %rem3A_55 : i32
        %mul3A_65 = arith.constant 16 : i32
        %mul3A_66 = arith.muli %select_n3A_64, %mul3A_65 : i32
        %get3A = arith.index_cast %select_n3A : i32 to index
        %get3A_67 = arith.index_cast %mul3A_66 : i32 to index
        %get3A_68 = tpu.vector_load %arg12[%get3A, %get3A_67] {strides = array<i32>} : memref<64x512xf32, #tpu.memory_space<vmem>>, vector<1x16xf32>,
        %get3A_69 = vector.shape_cast %get3A_68 : vector<1x16xf32> to vector<16xf32>
        %get3A_70 = arith.index_cast %select_n3A : i32 to index
        %get3A_71 = arith.index_cast %mul3A_66 : i32 to index
        %get3A_72 = tpu.vector_load %arg13[%get3A_70, %get3A_71] {strides = array<i32>} : memref<64x512xf32, #tpu.memory_space<vmem>>, vector<1x16xf32>,
        %get3A_73 = vector.shape_cast %get3A_72 : vector<1x16xf32> to vector<16xf32>
        %add3A_74 = arith.addf %get3A_69, %get3A_73 : vector<16xf32>
        %get3A_75 = arith.index_cast %select_n3A : i32 to index
        %get3A_76 = arith.index_cast %mul3A_66 : i32 to index
        %get3A_77 = tpu.vector_load %arg14[%get3A_75, %get3A_76] {strides = array<i32>} : memref<64x512xf32, #tpu.memory_space<vmem>>, vector<1x16xf32>,
        %get3A_78 = vector.shape_cast %get3A_77 : vector<1x16xf32> to vector<16xf32>
        %add3A_79 = arith.addf %add3A_74, %get3A_78 : vector<16xf32>
        %swap3A = arith.index_cast %select_n3A : i32 to index
        %swap3A_80 = arith.index_cast %mul3A_66 : i32 to index
        %swap3A_81 = tpu.vector_load %arg12[%swap3A, %swap3A_80] {strides = array<i32>} : memref<64x512xf32, #tpu.memory_space<vmem>>, vector<1x16xf32>,
        %swap3A_82 = vector.shape_cast %swap3A_81 : vector<1x16xf32> to vector<16xf32>
        %swap3A_83 = vector.shape_cast %add3A_79 : vector<16xf32> to vector<1x16xf32>
        tpu.vector_store %arg12[%swap3A, %swap3A_80], %swap3A_83 {strides = array<i32>} : memref<64x512xf32, #tpu.memory_space<vmem>>, vector<1x16xf32>,
        %scan3A_84 = arith.constant 1 : i32
        %scan3A_85 = arith.addi %scan3A_34, %scan3A_84 : i32
        %jit3A_86 = arith.constant 32 : i32
        %div3A_87 = arith.divsi %scan3A_85, %jit3A_86 : i32
        %sign3A_88 = arith.constant 0 : i32
        %sign3A_89 = arith.cmpi sgt, %scan3A_85, %sign3A_88 : i32
        %sign3A_90 = arith.extui %sign3A_89 : i1 to i32
        %sign3A_91 = arith.constant 0 : i32
        %sign3A_92 = arith.cmpi slt, %scan3A_85, %sign3A_91 : i32
        %sign3A_93 = arith.extui %sign3A_92 : i1 to i32
        %sign3A_94 = arith.subi %sign3A_90, %sign3A_93 : i32
        %sign3A_95 = arith.constant 0 : i32
        %sign3A_96 = arith.cmpi sgt, %jit3A_86, %sign3A_95 : i32
        %sign3A_97 = arith.extui %sign3A_96 : i1 to i32
        %sign3A_98 = arith.constant 0 : i32
        %sign3A_99 = arith.cmpi slt, %jit3A_86, %sign3A_98 : i32
        %sign3A_100 = arith.extui %sign3A_99 : i1 to i32
        %sign3A_101 = arith.subi %sign3A_97, %sign3A_100 : i32
        %ne3A_102 = arith.cmpi ne, %sign3A_94, %sign3A_101 : i32
        %rem3A_103 = arith.remsi %scan3A_85, %jit3A_86 : i32
        %ne3A_104 = arith.constant 0 : i32
        %ne3A_105 = arith.cmpi ne, %rem3A_103, %ne3A_104 : i32
        %and3A_106 = arith.andi %ne3A_102, %ne3A_105 : i1
        %sub3A_107 = arith.constant 1 : i32
        %sub3A_108 = arith.subi %div3A_87, %sub3A_107 : i32
        %select_n3A_109 = arith.select %and3A_106, %sub3A_108, %div3A_87 : i32
        %jit3A_110 = arith.constant 32 : i32
        %eq3A_111 = arith.constant 0 : i32
        %eq3A_112 = arith.cmpi eq, %jit3A_110, %eq3A_111 : i32
        %jit3A_113 = arith.constant 1 : i32
        %select_n3A_114 = arith.select %eq3A_112, %jit3A_113, %jit3A_110 : i32
        %rem3A_115 = arith.remsi %scan3A_85, %select_n3A_114 : i32
        %ne3A_116 = arith.constant 0 : i32
        %ne3A_117 = arith.cmpi ne, %rem3A_115, %ne3A_116 : i32
        %lt3A_118 = arith.constant 0 : i32
        %lt3A_119 = arith.cmpi slt, %rem3A_115, %lt3A_118 : i32
        %lt3A_120 = arith.constant 0 : i32
        %lt3A_121 = arith.cmpi slt, %select_n3A_114, %lt3A_120 : i32
        %ne3A_122 = arith.xori %lt3A_119, %lt3A_121 : i1
        %and3A_123 = arith.andi %ne3A_122, %ne3A_117 : i1
        %add3A_124 = arith.addi %rem3A_115, %select_n3A_114 : i32
        %select_n3A_125 = arith.select %and3A_123, %add3A_124, %rem3A_115 : i32
        %mul3A_126 = arith.constant 16 : i32
        %mul3A_127 = arith.muli %select_n3A_125, %mul3A_126 : i32
        %get3A_128 = arith.index_cast %select_n3A_109 : i32 to index
        %get3A_129 = arith.index_cast %mul3A_127 : i32 to index
        %get3A_130 = tpu.vector_load %arg12[%get3A_128, %get3A_129] {strides = array<i32>} : memref<64x512xf32, #tpu.memory_space<vmem>>, vector<1x16xf32>,
        %get3A_131 = vector.shape_cast %get3A_130 : vector<1x16xf32> to vector<16xf32>
        %get3A_132 = arith.index_cast %select_n3A_109 : i32 to index
        %get3A_133 = arith.index_cast %mul3A_127 : i32 to index
        %get3A_134 = tpu.vector_load %arg13[%get3A_132, %get3A_133] {strides = array<i32>} : memref<64x512xf32, #tpu.memory_space<vmem>>, vector<1x16xf32>,
        %get3A_135 = vector.shape_cast %get3A_134 : vector<1x16xf32> to vector<16xf32>
        %add3A_136 = arith.addf %get3A_131, %get3A_135 : vector<16xf32>
        %get3A_137 = arith.index_cast %select_n3A_109 : i32 to index
        %get3A_138 = arith.index_cast %mul3A_127 : i32 to index
        %get3A_139 = tpu.vector_load %arg14[%get3A_137, %get3A_138] {strides = array<i32>} : memref<64x512xf32, #tpu.memory_space<vmem>>, vector<1x16xf32>,
        %get3A_140 = vector.shape_cast %get3A_139 : vector<1x16xf32> to vector<16xf32>
        %add3A_141 = arith.addf %add3A_136, %get3A_140 : vector<16xf32>
        %swap3A_142 = arith.index_cast %select_n3A_109 : i32 to index
        %swap3A_143 = arith.index_cast %mul3A_127 : i32 to index
        %swap3A_144 = tpu.vector_load %arg12[%swap3A_142, %swap3A_143] {strides = array<i32>} : memref<64x512xf32, #tpu.memory_space<vmem>>, vector<1x16xf32>,
        %swap3A_145 = vector.shape_cast %swap3A_144 : vector<1x16xf32> to vector<16xf32>
        %swap3A_146 = vector.shape_cast %add3A_141 : vector<16xf32> to vector<1x16xf32>
        tpu.vector_store %arg12[%swap3A_142, %swap3A_143], %swap3A_146 {strides = array<i32>} : memref<64x512xf32, #tpu.memory_space<vmem>>, vector<1x16xf32>,
        %scan3A_147 = arith.constant 2 : i32
        %scan3A_148 = arith.addi %scan3A_34, %scan3A_147 : i32
        %jit3A_149 = arith.constant 32 : i32
        %div3A_150 = arith.divsi %scan3A_148, %jit3A_149 : i32
        %sign3A_151 = arith.constant 0 : i32
        %sign3A_152 = arith.cmpi sgt, %scan3A_148, %sign3A_151 : i32
        %sign3A_153 = arith.extui %sign3A_152 : i1 to i32
        %sign3A_154 = arith.constant 0 : i32
        %sign3A_155 = arith.cmpi slt, %scan3A_148, %sign3A_154 : i32
        %sign3A_156 = arith.extui %sign3A_155 : i1 to i32
        %sign3A_157 = arith.subi %sign3A_153, %sign3A_156 : i32
        %sign3A_158 = arith.constant 0 : i32
        %sign3A_159 = arith.cmpi sgt, %jit3A_149, %sign3A_158 : i32
        %sign3A_160 = arith.extui %sign3A_159 : i1 to i32
        %sign3A_161 = arith.constant 0 : i32
        %sign3A_162 = arith.cmpi slt, %jit3A_149, %sign3A_161 : i32
        %sign3A_163 = arith.extui %sign3A_162 : i1 to i32
        %sign3A_164 = arith.subi %sign3A_160, %sign3A_163 : i32
        %ne3A_165 = arith.cmpi ne, %sign3A_157, %sign3A_164 : i32
        %rem3A_166 = arith.remsi %scan3A_148, %jit3A_149 : i32
        %ne3A_167 = arith.constant 0 : i32
        %ne3A_168 = arith.cmpi ne, %rem3A_166, %ne3A_167 : i32
        %and3A_169 = arith.andi %ne3A_165, %ne3A_168 : i1
        %sub3A_170 = arith.constant 1 : i32
        %sub3A_171 = arith.subi %div3A_150, %sub3A_170 : i32
        %select_n3A_172 = arith.select %and3A_169, %sub3A_171, %div3A_150 : i32
        %jit3A_173 = arith.constant 32 : i32
        %eq3A_174 = arith.constant 0 : i32
        %eq3A_175 = arith.cmpi eq, %jit3A_173, %eq3A_174 : i32
        %jit3A_176 = arith.constant 1 : i32
        %select_n3A_177 = arith.select %eq3A_175, %jit3A_176, %jit3A_173 : i32
        %rem3A_178 = arith.remsi %scan3A_148, %select_n3A_177 : i32
        %ne3A_179 = arith.constant 0 : i32
        %ne3A_180 = arith.cmpi ne, %rem3A_178, %ne3A_179 : i32
        %lt3A_181 = arith.constant 0 : i32
        %lt3A_182 = arith.cmpi slt, %rem3A_178, %lt3A_181 : i32
        %lt3A_183 = arith.constant 0 : i32
        %lt3A_184 = arith.cmpi slt, %select_n3A_177, %lt3A_183 : i32
        %ne3A_185 = arith.xori %lt3A_182, %lt3A_184 : i1
        %and3A_186 = arith.andi %ne3A_185, %ne3A_180 : i1
        %add3A_187 = arith.addi %rem3A_178, %select_n3A_177 : i32
        %select_n3A_188 = arith.select %and3A_186, %add3A_187, %rem3A_178 : i32
        %mul3A_189 = arith.constant 16 : i32
        %mul3A_190 = arith.muli %select_n3A_188, %mul3A_189 : i32
        %get3A_191 = arith.index_cast %select_n3A_172 : i32 to index
        %get3A_192 = arith.index_cast %mul3A_190 : i32 to index
        %get3A_193 = tpu.vector_load %arg12[%get3A_191, %get3A_192] {strides = array<i32>} : memref<64x512xf32, #tpu.memory_space<vmem>>, vector<1x16xf32>,
        %get3A_194 = vector.shape_cast %get3A_193 : vector<1x16xf32> to vector<16xf32>
        %get3A_195 = arith.index_cast %select_n3A_172 : i32 to index
        %get3A_196 = arith.index_cast %mul3A_190 : i32 to index
        %get3A_197 = tpu.vector_load %arg13[%get3A_195, %get3A_196] {strides = array<i32>} : memref<64x512xf32, #tpu.memory_space<vmem>>, vector<1x16xf32>,
        %get3A_198 = vector.shape_cast %get3A_197 : vector<1x16xf32> to vector<16xf32>
        %add3A_199 = arith.addf %get3A_194, %get3A_198 : vector<16xf32>
        %get3A_200 = arith.index_cast %select_n3A_172 : i32 to index
        %get3A_201 = arith.index_cast %mul3A_190 : i32 to index
        %get3A_202 = tpu.vector_load %arg14[%get3A_200, %get3A_201] {strides = array<i32>} : memref<64x512xf32, #tpu.memory_space<vmem>>, vector<1x16xf32>,
        %get3A_203 = vector.shape_cast %get3A_202 : vector<1x16xf32> to vector<16xf32>
        %add3A_204 = arith.addf %add3A_199, %get3A_203 : vector<16xf32>
        %swap3A_205 = arith.index_cast %select_n3A_172 : i32 to index
        %swap3A_206 = arith.index_cast %mul3A_190 : i32 to index
        %swap3A_207 = tpu.vector_load %arg12[%swap3A_205, %swap3A_206] {strides = array<i32>} : memref<64x512xf32, #tpu.memory_space<vmem>>, vector<1x16xf32>,
        %swap3A_208 = vector.shape_cast %swap3A_207 : vector<1x16xf32> to vector<16xf32>
        %swap3A_209 = vector.shape_cast %add3A_204 : vector<16xf32> to vector<1x16xf32>
        tpu.vector_store %arg12[%swap3A_205, %swap3A_206], %swap3A_209 {strides = array<i32>} : memref<64x512xf32, #tpu.memory_space<vmem>>, vector<1x16xf32>,
        %scan3A_210 = arith.constant 3 : i32
        %scan3A_211 = arith.addi %scan3A_34, %scan3A_210 : i32
        %jit3A_212 = arith.constant 32 : i32
        %div3A_213 = arith.divsi %scan3A_211, %jit3A_212 : i32
        %sign3A_214 = arith.constant 0 : i32
        %sign3A_215 = arith.cmpi sgt, %scan3A_211, %sign3A_214 : i32
        %sign3A_216 = arith.extui %sign3A_215 : i1 to i32
        %sign3A_217 = arith.constant 0 : i32
        %sign3A_218 = arith.cmpi slt, %scan3A_211, %sign3A_217 : i32
        %sign3A_219 = arith.extui %sign3A_218 : i1 to i32
        %sign3A_220 = arith.subi %sign3A_216, %sign3A_219 : i32
        %sign3A_221 = arith.constant 0 : i32
        %sign3A_222 = arith.cmpi sgt, %jit3A_212, %sign3A_221 : i32
        %sign3A_223 = arith.extui %sign3A_222 : i1 to i32
        %sign3A_224 = arith.constant 0 : i32
        %sign3A_225 = arith.cmpi slt, %jit3A_212, %sign3A_224 : i32
        %sign3A_226 = arith.extui %sign3A_225 : i1 to i32
        %sign3A_227 = arith.subi %sign3A_223, %sign3A_226 : i32
        %ne3A_228 = arith.cmpi ne, %sign3A_220, %sign3A_227 : i32
        %rem3A_229 = arith.remsi %scan3A_211, %jit3A_212 : i32
        %ne3A_230 = arith.constant 0 : i32
        %ne3A_231 = arith.cmpi ne, %rem3A_229, %ne3A_230 : i32
        %and3A_232 = arith.andi %ne3A_228, %ne3A_231 : i1
        %sub3A_233 = arith.constant 1 : i32
        %sub3A_234 = arith.subi %div3A_213, %sub3A_233 : i32
        %select_n3A_235 = arith.select %and3A_232, %sub3A_234, %div3A_213 : i32
        %jit3A_236 = arith.constant 32 : i32
        %eq3A_237 = arith.constant 0 : i32
        %eq3A_238 = arith.cmpi eq, %jit3A_236, %eq3A_237 : i32
        %jit3A_239 = arith.constant 1 : i32
        %select_n3A_240 = arith.select %eq3A_238, %jit3A_239, %jit3A_236 : i32
        %rem3A_241 = arith.remsi %scan3A_211, %select_n3A_240 : i32
        %ne3A_242 = arith.constant 0 : i32
        %ne3A_243 = arith.cmpi ne, %rem3A_241, %ne3A_242 : i32
        %lt3A_244 = arith.constant 0 : i32
        %lt3A_245 = arith.cmpi slt, %rem3A_241, %lt3A_244 : i32
        %lt3A_246 = arith.constant 0 : i32
        %lt3A_247 = arith.cmpi slt, %select_n3A_240, %lt3A_246 : i32
        %ne3A_248 = arith.xori %lt3A_245, %lt3A_247 : i1
        %and3A_249 = arith.andi %ne3A_248, %ne3A_243 : i1
        %add3A_250 = arith.addi %rem3A_241, %select_n3A_240 : i32
        %select_n3A_251 = arith.select %and3A_249, %add3A_250, %rem3A_241 : i32
        %mul3A_252 = arith.constant 16 : i32
        %mul3A_253 = arith.muli %select_n3A_251, %mul3A_252 : i32
        %get3A_254 = arith.index_cast %select_n3A_235 : i32 to index
        %get3A_255 = arith.index_cast %mul3A_253 : i32 to index
        %get3A_256 = tpu.vector_load %arg12[%get3A_254, %get3A_255] {strides = array<i32>} : memref<64x512xf32, #tpu.memory_space<vmem>>, vector<1x16xf32>,
        %get3A_257 = vector.shape_cast %get3A_256 : vector<1x16xf32> to vector<16xf32>
        %get3A_258 = arith.index_cast %select_n3A_235 : i32 to index
        %get3A_259 = arith.index_cast %mul3A_253 : i32 to index
        %get3A_260 = tpu.vector_load %arg13[%get3A_258, %get3A_259] {strides = array<i32>} : memref<64x512xf32, #tpu.memory_space<vmem>>, vector<1x16xf32>,
        %get3A_261 = vector.shape_cast %get3A_260 : vector<1x16xf32> to vector<16xf32>
        %add3A_262 = arith.addf %get3A_257, %get3A_261 : vector<16xf32>
        %get3A_263 = arith.index_cast %select_n3A_235 : i32 to index
        %get3A_264 = arith.index_cast %mul3A_253 : i32 to index
        %get3A_265 = tpu.vector_load %arg14[%get3A_263, %get3A_264] {strides = array<i32>} : memref<64x512xf32, #tpu.memory_space<vmem>>, vector<1x16xf32>,
        %get3A_266 = vector.shape_cast %get3A_265 : vector<1x16xf32> to vector<16xf32>
        %add3A_267 = arith.addf %add3A_262, %get3A_266 : vector<16xf32>
        %swap3A_268 = arith.index_cast %select_n3A_235 : i32 to index
        %swap3A_269 = arith.index_cast %mul3A_253 : i32 to index
        %swap3A_270 = tpu.vector_load %arg12[%swap3A_268, %swap3A_269] {strides = array<i32>} : memref<64x512xf32, #tpu.memory_space<vmem>>, vector<1x16xf32>,
        %swap3A_271 = vector.shape_cast %swap3A_270 : vector<1x16xf32> to vector<16xf32>
        %swap3A_272 = vector.shape_cast %add3A_267 : vector<16xf32> to vector<1x16xf32>
        tpu.vector_store %arg12[%swap3A_268, %swap3A_269], %swap3A_272 {strides = array<i32>} : memref<64x512xf32, #tpu.memory_space<vmem>>, vector<1x16xf32>,
        %scan3A_273 = arith.constant 4 : i32
        %scan3A_274 = arith.addi %scan3A_34, %scan3A_273 : i32
        %jit3A_275 = arith.constant 32 : i32
        %div3A_276 = arith.divsi %scan3A_274, %jit3A_275 : i32
        %sign3A_277 = arith.constant 0 : i32
        %sign3A_278 = arith.cmpi sgt, %scan3A_274, %sign3A_277 : i32
        %sign3A_279 = arith.extui %sign3A_278 : i1 to i32
        %sign3A_280 = arith.constant 0 : i32
        %sign3A_281 = arith.cmpi slt, %scan3A_274, %sign3A_280 : i32
        %sign3A_282 = arith.extui %sign3A_281 : i1 to i32
        %sign3A_283 = arith.subi %sign3A_279, %sign3A_282 : i32
        %sign3A_284 = arith.constant 0 : i32
        %sign3A_285 = arith.cmpi sgt, %jit3A_275, %sign3A_284 : i32
        %sign3A_286 = arith.extui %sign3A_285 : i1 to i32
        %sign3A_287 = arith.constant 0 : i32
        %sign3A_288 = arith.cmpi slt, %jit3A_275, %sign3A_287 : i32
        %sign3A_289 = arith.extui %sign3A_288 : i1 to i32
        %sign3A_290 = arith.subi %sign3A_286, %sign3A_289 : i32
        %ne3A_291 = arith.cmpi ne, %sign3A_283, %sign3A_290 : i32
        %rem3A_292 = arith.remsi %scan3A_274, %jit3A_275 : i32
        %ne3A_293 = arith.constant 0 : i32
        %ne3A_294 = arith.cmpi ne, %rem3A_292, %ne3A_293 : i32
        %and3A_295 = arith.andi %ne3A_291, %ne3A_294 : i1
        %sub3A_296 = arith.constant 1 : i32
        %sub3A_297 = arith.subi %div3A_276, %sub3A_296 : i32
        %select_n3A_298 = arith.select %and3A_295, %sub3A_297, %div3A_276 : i32
        %jit3A_299 = arith.constant 32 : i32
        %eq3A_300 = arith.constant 0 : i32
        %eq3A_301 = arith.cmpi eq, %jit3A_299, %eq3A_300 : i32
        %jit3A_302 = arith.constant 1 : i32
        %select_n3A_303 = arith.select %eq3A_301, %jit3A_302, %jit3A_299 : i32
        %rem3A_304 = arith.remsi %scan3A_274, %select_n3A_303 : i32
        %ne3A_305 = arith.constant 0 : i32
        %ne3A_306 = arith.cmpi ne, %rem3A_304, %ne3A_305 : i32
        %lt3A_307 = arith.constant 0 : i32
        %lt3A_308 = arith.cmpi slt, %rem3A_304, %lt3A_307 : i32
        %lt3A_309 = arith.constant 0 : i32
        %lt3A_310 = arith.cmpi slt, %select_n3A_303, %lt3A_309 : i32
        %ne3A_311 = arith.xori %lt3A_308, %lt3A_310 : i1
        %and3A_312 = arith.andi %ne3A_311, %ne3A_306 : i1
        %add3A_313 = arith.addi %rem3A_304, %select_n3A_303 : i32
        %select_n3A_314 = arith.select %and3A_312, %add3A_313, %rem3A_304 : i32
        %mul3A_315 = arith.constant 16 : i32
        %mul3A_316 = arith.muli %select_n3A_314, %mul3A_315 : i32
        %get3A_317 = arith.index_cast %select_n3A_298 : i32 to index
        %get3A_318 = arith.index_cast %mul3A_316 : i32 to index
        %get3A_319 = tpu.vector_load %arg12[%get3A_317, %get3A_318] {strides = array<i32>} : memref<64x512xf32, #tpu.memory_space<vmem>>, vector<1x16xf32>,
        %get3A_320 = vector.shape_cast %get3A_319 : vector<1x16xf32> to vector<16xf32>
        %get3A_321 = arith.index_cast %select_n3A_298 : i32 to index
        %get3A_322 = arith.index_cast %mul3A_316 : i32 to index
        %get3A_323 = tpu.vector_load %arg13[%get3A_321, %get3A_322] {strides = array<i32>} : memref<64x512xf32, #tpu.memory_space<vmem>>, vector<1x16xf32>,
        %get3A_324 = vector.shape_cast %get3A_323 : vector<1x16xf32> to vector<16xf32>
        %add3A_325 = arith.addf %get3A_320, %get3A_324 : vector<16xf32>
        %get3A_326 = arith.index_cast %select_n3A_298 : i32 to index
        %get3A_327 = arith.index_cast %mul3A_316 : i32 to index
        %get3A_328 = tpu.vector_load %arg14[%get3A_326, %get3A_327] {strides = array<i32>} : memref<64x512xf32, #tpu.memory_space<vmem>>, vector<1x16xf32>,
        %get3A_329 = vector.shape_cast %get3A_328 : vector<1x16xf32> to vector<16xf32>
        %add3A_330 = arith.addf %add3A_325, %get3A_329 : vector<16xf32>
        %swap3A_331 = arith.index_cast %select_n3A_298 : i32 to index
        %swap3A_332 = arith.index_cast %mul3A_316 : i32 to index
        %swap3A_333 = tpu.vector_load %arg12[%swap3A_331, %swap3A_332] {strides = array<i32>} : memref<64x512xf32, #tpu.memory_space<vmem>>, vector<1x16xf32>,
        %swap3A_334 = vector.shape_cast %swap3A_333 : vector<1x16xf32> to vector<16xf32>
        %swap3A_335 = vector.shape_cast %add3A_330 : vector<16xf32> to vector<1x16xf32>
        tpu.vector_store %arg12[%swap3A_331, %swap3A_332], %swap3A_335 {strides = array<i32>} : memref<64x512xf32, #tpu.memory_space<vmem>>, vector<1x16xf32>,
        %scan3A_336 = arith.constant 5 : i32
        %scan3A_337 = arith.addi %scan3A_34, %scan3A_336 : i32
        %jit3A_338 = arith.constant 32 : i32
        %div3A_339 = arith.divsi %scan3A_337, %jit3A_338 : i32
        %sign3A_340 = arith.constant 0 : i32
        %sign3A_341 = arith.cmpi sgt, %scan3A_337, %sign3A_340 : i32
        %sign3A_342 = arith.extui %sign3A_341 : i1 to i32
        %sign3A_343 = arith.constant 0 : i32
        %sign3A_344 = arith.cmpi slt, %scan3A_337, %sign3A_343 : i32
        %sign3A_345 = arith.extui %sign3A_344 : i1 to i32
        %sign3A_346 = arith.subi %sign3A_342, %sign3A_345 : i32
        %sign3A_347 = arith.constant 0 : i32
        %sign3A_348 = arith.cmpi sgt, %jit3A_338, %sign3A_347 : i32
        %sign3A_349 = arith.extui %sign3A_348 : i1 to i32
        %sign3A_350 = arith.constant 0 : i32
        %sign3A_351 = arith.cmpi slt, %jit3A_338, %sign3A_350 : i32
        %sign3A_352 = arith.extui %sign3A_351 : i1 to i32
        %sign3A_353 = arith.subi %sign3A_349, %sign3A_352 : i32
        %ne3A_354 = arith.cmpi ne, %sign3A_346, %sign3A_353 : i32
        %rem3A_355 = arith.remsi %scan3A_337, %jit3A_338 : i32
        %ne3A_356 = arith.constant 0 : i32
        %ne3A_357 = arith.cmpi ne, %rem3A_355, %ne3A_356 : i32
        %and3A_358 = arith.andi %ne3A_354, %ne3A_357 : i1
        %sub3A_359 = arith.constant 1 : i32
        %sub3A_360 = arith.subi %div3A_339, %sub3A_359 : i32
        %select_n3A_361 = arith.select %and3A_358, %sub3A_360, %div3A_339 : i32
        %jit3A_362 = arith.constant 32 : i32
        %eq3A_363 = arith.constant 0 : i32
        %eq3A_364 = arith.cmpi eq, %jit3A_362, %eq3A_363 : i32
        %jit3A_365 = arith.constant 1 : i32
        %select_n3A_366 = arith.select %eq3A_364, %jit3A_365, %jit3A_362 : i32
        %rem3A_367 = arith.remsi %scan3A_337, %select_n3A_366 : i32
        %ne3A_368 = arith.constant 0 : i32
        %ne3A_369 = arith.cmpi ne, %rem3A_367, %ne3A_368 : i32
        %lt3A_370 = arith.constant 0 : i32
        %lt3A_371 = arith.cmpi slt, %rem3A_367, %lt3A_370 : i32
        %lt3A_372 = arith.constant 0 : i32
        %lt3A_373 = arith.cmpi slt, %select_n3A_366, %lt3A_372 : i32
        %ne3A_374 = arith.xori %lt3A_371, %lt3A_373 : i1
        %and3A_375 = arith.andi %ne3A_374, %ne3A_369 : i1
        %add3A_376 = arith.addi %rem3A_367, %select_n3A_366 : i32
        %select_n3A_377 = arith.select %and3A_375, %add3A_376, %rem3A_367 : i32
        %mul3A_378 = arith.constant 16 : i32
        %mul3A_379 = arith.muli %select_n3A_377, %mul3A_378 : i32
        %get3A_380 = arith.index_cast %select_n3A_361 : i32 to index
        %get3A_381 = arith.index_cast %mul3A_379 : i32 to index
        %get3A_382 = tpu.vector_load %arg12[%get3A_380, %get3A_381] {strides = array<i32>} : memref<64x512xf32, #tpu.memory_space<vmem>>, vector<1x16xf32>,
        %get3A_383 = vector.shape_cast %get3A_382 : vector<1x16xf32> to vector<16xf32>
        %get3A_384 = arith.index_cast %select_n3A_361 : i32 to index
        %get3A_385 = arith.index_cast %mul3A_379 : i32 to index
        %get3A_386 = tpu.vector_load %arg13[%get3A_384, %get3A_385] {strides = array<i32>} : memref<64x512xf32, #tpu.memory_space<vmem>>, vector<1x16xf32>,
        %get3A_387 = vector.shape_cast %get3A_386 : vector<1x16xf32> to vector<16xf32>
        %add3A_388 = arith.addf %get3A_383, %get3A_387 : vector<16xf32>
        %get3A_389 = arith.index_cast %select_n3A_361 : i32 to index
        %get3A_390 = arith.index_cast %mul3A_379 : i32 to index
        %get3A_391 = tpu.vector_load %arg14[%get3A_389, %get3A_390] {strides = array<i32>} : memref<64x512xf32, #tpu.memory_space<vmem>>, vector<1x16xf32>,
        %get3A_392 = vector.shape_cast %get3A_391 : vector<1x16xf32> to vector<16xf32>
        %add3A_393 = arith.addf %add3A_388, %get3A_392 : vector<16xf32>
        %swap3A_394 = arith.index_cast %select_n3A_361 : i32 to index
        %swap3A_395 = arith.index_cast %mul3A_379 : i32 to index
        %swap3A_396 = tpu.vector_load %arg12[%swap3A_394, %swap3A_395] {strides = array<i32>} : memref<64x512xf32, #tpu.memory_space<vmem>>, vector<1x16xf32>,
        %swap3A_397 = vector.shape_cast %swap3A_396 : vector<1x16xf32> to vector<16xf32>
        %swap3A_398 = vector.shape_cast %add3A_393 : vector<16xf32> to vector<1x16xf32>
        tpu.vector_store %arg12[%swap3A_394, %swap3A_395], %swap3A_398 {strides = array<i32>} : memref<64x512xf32, #tpu.memory_space<vmem>>, vector<1x16xf32>,
        %scan3A_399 = arith.constant 6 : i32
        %scan3A_400 = arith.addi %scan3A_34, %scan3A_399 : i32
        %jit3A_401 = arith.constant 32 : i32
        %div3A_402 = arith.divsi %scan3A_400, %jit3A_401 : i32
        %sign3A_403 = arith.constant 0 : i32
        %sign3A_404 = arith.cmpi sgt, %scan3A_400, %sign3A_403 : i32
        %sign3A_405 = arith.extui %sign3A_404 : i1 to i32
        %sign3A_406 = arith.constant 0 : i32
        %sign3A_407 = arith.cmpi slt, %scan3A_400, %sign3A_406 : i32
        %sign3A_408 = arith.extui %sign3A_407 : i1 to i32
        %sign3A_409 = arith.subi %sign3A_405, %sign3A_408 : i32
        %sign3A_410 = arith.constant 0 : i32
        %sign3A_411 = arith.cmpi sgt, %jit3A_401, %sign3A_410 : i32
        %sign3A_412 = arith.extui %sign3A_411 : i1 to i32
        %sign3A_413 = arith.constant 0 : i32
        %sign3A_414 = arith.cmpi slt, %jit3A_401, %sign3A_413 : i32
        %sign3A_415 = arith.extui %sign3A_414 : i1 to i32
        %sign3A_416 = arith.subi %sign3A_412, %sign3A_415 : i32
        %ne3A_417 = arith.cmpi ne, %sign3A_409, %sign3A_416 : i32
        %rem3A_418 = arith.remsi %scan3A_400, %jit3A_401 : i32
        %ne3A_419 = arith.constant 0 : i32
        %ne3A_420 = arith.cmpi ne, %rem3A_418, %ne3A_419 : i32
        %and3A_421 = arith.andi %ne3A_417, %ne3A_420 : i1
        %sub3A_422 = arith.constant 1 : i32
        %sub3A_423 = arith.subi %div3A_402, %sub3A_422 : i32
        %select_n3A_424 = arith.select %and3A_421, %sub3A_423, %div3A_402 : i32
        %jit3A_425 = arith.constant 32 : i32
        %eq3A_426 = arith.constant 0 : i32
        %eq3A_427 = arith.cmpi eq, %jit3A_425, %eq3A_426 : i32
        %jit3A_428 = arith.constant 1 : i32
        %select_n3A_429 = arith.select %eq3A_427, %jit3A_428, %jit3A_425 : i32
        %rem3A_430 = arith.remsi %scan3A_400, %select_n3A_429 : i32
        %ne3A_431 = arith.constant 0 : i32
        %ne3A_432 = arith.cmpi ne, %rem3A_430, %ne3A_431 : i32
        %lt3A_433 = arith.constant 0 : i32
        %lt3A_434 = arith.cmpi slt, %rem3A_430, %lt3A_433 : i32
        %lt3A_435 = arith.constant 0 : i32
        %lt3A_436 = arith.cmpi slt, %select_n3A_429, %lt3A_435 : i32
        %ne3A_437 = arith.xori %lt3A_434, %lt3A_436 : i1
        %and3A_438 = arith.andi %ne3A_437, %ne3A_432 : i1
        %add3A_439 = arith.addi %rem3A_430, %select_n3A_429 : i32
        %select_n3A_440 = arith.select %and3A_438, %add3A_439, %rem3A_430 : i32
        %mul3A_441 = arith.constant 16 : i32
        %mul3A_442 = arith.muli %select_n3A_440, %mul3A_441 : i32
        %get3A_443 = arith.index_cast %select_n3A_424 : i32 to index
        %get3A_444 = arith.index_cast %mul3A_442 : i32 to index
        %get3A_445 = tpu.vector_load %arg12[%get3A_443, %get3A_444] {strides = array<i32>} : memref<64x512xf32, #tpu.memory_space<vmem>>, vector<1x16xf32>,
        %get3A_446 = vector.shape_cast %get3A_445 : vector<1x16xf32> to vector<16xf32>
        %get3A_447 = arith.index_cast %select_n3A_424 : i32 to index
        %get3A_448 = arith.index_cast %mul3A_442 : i32 to index
        %get3A_449 = tpu.vector_load %arg13[%get3A_447, %get3A_448] {strides = array<i32>} : memref<64x512xf32, #tpu.memory_space<vmem>>, vector<1x16xf32>,
        %get3A_450 = vector.shape_cast %get3A_449 : vector<1x16xf32> to vector<16xf32>
        %add3A_451 = arith.addf %get3A_446, %get3A_450 : vector<16xf32>
        %get3A_452 = arith.index_cast %select_n3A_424 : i32 to index
        %get3A_453 = arith.index_cast %mul3A_442 : i32 to index
        %get3A_454 = tpu.vector_load %arg14[%get3A_452, %get3A_453] {strides = array<i32>} : memref<64x512xf32, #tpu.memory_space<vmem>>, vector<1x16xf32>,
        %get3A_455 = vector.shape_cast %get3A_454 : vector<1x16xf32> to vector<16xf32>
        %add3A_456 = arith.addf %add3A_451, %get3A_455 : vector<16xf32>
        %swap3A_457 = arith.index_cast %select_n3A_424 : i32 to index
        %swap3A_458 = arith.index_cast %mul3A_442 : i32 to index
        %swap3A_459 = tpu.vector_load %arg12[%swap3A_457, %swap3A_458] {strides = array<i32>} : memref<64x512xf32, #tpu.memory_space<vmem>>, vector<1x16xf32>,
        %swap3A_460 = vector.shape_cast %swap3A_459 : vector<1x16xf32> to vector<16xf32>
        %swap3A_461 = vector.shape_cast %add3A_456 : vector<16xf32> to vector<1x16xf32>
        tpu.vector_store %arg12[%swap3A_457, %swap3A_458], %swap3A_461 {strides = array<i32>} : memref<64x512xf32, #tpu.memory_space<vmem>>, vector<1x16xf32>,
        %scan3A_462 = arith.constant 7 : i32
        %scan3A_463 = arith.addi %scan3A_34, %scan3A_462 : i32
        %jit3A_464 = arith.constant 32 : i32
        %div3A_465 = arith.divsi %scan3A_463, %jit3A_464 : i32
        %sign3A_466 = arith.constant 0 : i32
        %sign3A_467 = arith.cmpi sgt, %scan3A_463, %sign3A_466 : i32
        %sign3A_468 = arith.extui %sign3A_467 : i1 to i32
        %sign3A_469 = arith.constant 0 : i32
        %sign3A_470 = arith.cmpi slt, %scan3A_463, %sign3A_469 : i32
        %sign3A_471 = arith.extui %sign3A_470 : i1 to i32
        %sign3A_472 = arith.subi %sign3A_468, %sign3A_471 : i32
        %sign3A_473 = arith.constant 0 : i32
        %sign3A_474 = arith.cmpi sgt, %jit3A_464, %sign3A_473 : i32
        %sign3A_475 = arith.extui %sign3A_474 : i1 to i32
        %sign3A_476 = arith.constant 0 : i32
        %sign3A_477 = arith.cmpi slt, %jit3A_464, %sign3A_476 : i32
        %sign3A_478 = arith.extui %sign3A_477 : i1 to i32
        %sign3A_479 = arith.subi %sign3A_475, %sign3A_478 : i32
        %ne3A_480 = arith.cmpi ne, %sign3A_472, %sign3A_479 : i32
        %rem3A_481 = arith.remsi %scan3A_463, %jit3A_464 : i32
        %ne3A_482 = arith.constant 0 : i32
        %ne3A_483 = arith.cmpi ne, %rem3A_481, %ne3A_482 : i32
        %and3A_484 = arith.andi %ne3A_480, %ne3A_483 : i1
        %sub3A_485 = arith.constant 1 : i32
        %sub3A_486 = arith.subi %div3A_465, %sub3A_485 : i32
        %select_n3A_487 = arith.select %and3A_484, %sub3A_486, %div3A_465 : i32
        %jit3A_488 = arith.constant 32 : i32
        %eq3A_489 = arith.constant 0 : i32
        %eq3A_490 = arith.cmpi eq, %jit3A_488, %eq3A_489 : i32
        %jit3A_491 = arith.constant 1 : i32
        %select_n3A_492 = arith.select %eq3A_490, %jit3A_491, %jit3A_488 : i32
        %rem3A_493 = arith.remsi %scan3A_463, %select_n3A_492 : i32
        %ne3A_494 = arith.constant 0 : i32
        %ne3A_495 = arith.cmpi ne, %rem3A_493, %ne3A_494 : i32
        %lt3A_496 = arith.constant 0 : i32
        %lt3A_497 = arith.cmpi slt, %rem3A_493, %lt3A_496 : i32
        %lt3A_498 = arith.constant 0 : i32
        %lt3A_499 = arith.cmpi slt, %select_n3A_492, %lt3A_498 : i32
        %ne3A_500 = arith.xori %lt3A_497, %lt3A_499 : i1
        %and3A_501 = arith.andi %ne3A_500, %ne3A_495 : i1
        %add3A_502 = arith.addi %rem3A_493, %select_n3A_492 : i32
        %select_n3A_503 = arith.select %and3A_501, %add3A_502, %rem3A_493 : i32
        %mul3A_504 = arith.constant 16 : i32
        %mul3A_505 = arith.muli %select_n3A_503, %mul3A_504 : i32
        %get3A_506 = arith.index_cast %select_n3A_487 : i32 to index
        %get3A_507 = arith.index_cast %mul3A_505 : i32 to index
        %get3A_508 = tpu.vector_load %arg12[%get3A_506, %get3A_507] {strides = array<i32>} : memref<64x512xf32, #tpu.memory_space<vmem>>, vector<1x16xf32>,
        %get3A_509 = vector.shape_cast %get3A_508 : vector<1x16xf32> to vector<16xf32>
        %get3A_510 = arith.index_cast %select_n3A_487 : i32 to index
        %get3A_511 = arith.index_cast %mul3A_505 : i32 to index
        %get3A_512 = tpu.vector_load %arg13[%get3A_510, %get3A_511] {strides = array<i32>} : memref<64x512xf32, #tpu.memory_space<vmem>>, vector<1x16xf32>,
        %get3A_513 = vector.shape_cast %get3A_512 : vector<1x16xf32> to vector<16xf32>
        %add3A_514 = arith.addf %get3A_509, %get3A_513 : vector<16xf32>
        %get3A_515 = arith.index_cast %select_n3A_487 : i32 to index
        %get3A_516 = arith.index_cast %mul3A_505 : i32 to index
        %get3A_517 = tpu.vector_load %arg14[%get3A_515, %get3A_516] {strides = array<i32>} : memref<64x512xf32, #tpu.memory_space<vmem>>, vector<1x16xf32>,
        %get3A_518 = vector.shape_cast %get3A_517 : vector<1x16xf32> to vector<16xf32>
        %add3A_519 = arith.addf %add3A_514, %get3A_518 : vector<16xf32>
        %swap3A_520 = arith.index_cast %select_n3A_487 : i32 to index
        %swap3A_521 = arith.index_cast %mul3A_505 : i32 to index
        %swap3A_522 = tpu.vector_load %arg12[%swap3A_520, %swap3A_521] {strides = array<i32>} : memref<64x512xf32, #tpu.memory_space<vmem>>, vector<1x16xf32>,
        %swap3A_523 = vector.shape_cast %swap3A_522 : vector<1x16xf32> to vector<16xf32>
        %swap3A_524 = vector.shape_cast %add3A_519 : vector<16xf32> to vector<1x16xf32>
        tpu.vector_store %arg12[%swap3A_520, %swap3A_521], %swap3A_524 {strides = array<i32>} : memref<64x512xf32, #tpu.memory_space<vmem>>, vector<1x16xf32>,
      }
      %scan3A_33 = arith.constant 2048 : i32
      "tpu.region"() ({
        %run_scoped3A = tpu.sem_alloc : memref<!tpu.dma_semaphore, #tpu.memory_space<semaphore_mem>>
        %dma_start3A_34 = arith.constant 0 : i32
        %dma_start3A_35 = tpu.memref_slice %arg8[%add3A_11, %dma_start3A_34] : memref<32768x512xf32, #tpu.memory_space<hbm>> -> memref<64x512xf32, #tpu.memory_space<hbm>>
        %dma_start3A_36 = arith.constant 0 : i32
        %dma_start3A_37 = tpu.memref_slice %arg8[%add3A_11, %dma_start3A_36] : memref<32768x512xf32, #tpu.memory_space<hbm>> -> memref<64x512xf32, #tpu.memory_space<hbm>>
        tpu.enqueue_dma source(%arg12 : memref<64x512xf32, #tpu.memory_space<vmem>>) target(%dma_start3A_37 : memref<64x512xf32, #tpu.memory_space<hbm>>) target_semaphore(%run_scoped3A : memref<!tpu.dma_semaphore, #tpu.memory_space<semaphore_mem>>)
        %dma_wait3A_38 = arith.constant 0 : i32
        %dma_wait3A_39 = tpu.memref_slice %arg8[%add3A_11, %dma_wait3A_38] : memref<32768x512xf32, #tpu.memory_space<hbm>> -> memref<64x512xf32, #tpu.memory_space<hbm>>
        %dma_wait3A_40 = arith.constant 0 : i32
        %dma_wait3A_41 = tpu.memref_slice %arg8[%add3A_11, %dma_wait3A_40] : memref<32768x512xf32, #tpu.memory_space<hbm>> -> memref<64x512xf32, #tpu.memory_space<hbm>>
        tpu.wait_dma2 semaphore(%run_scoped3A : memref<!tpu.dma_semaphore, #tpu.memory_space<semaphore_mem>>) src(%arg12 : memref<64x512xf32, #tpu.memory_space<vmem>>) dst(%dma_wait3A_41 : memref<64x512xf32, #tpu.memory_space<hbm>>)
        tpu.yield
      }) : () -> ()
    }
    %scan3A_7 = arith.constant 16 : i32
    return
  }
}

module attributes {stable_mosaic.version = 14 : i64} {
  func.func @_tc_kernel(%arg0: i32, %arg1: i32, %arg2: memref<1x1024x256xf32, #tpu.memory_space<vmem>>, %arg3: memref<1x256x512xf32, #tpu.memory_space<vmem>>, %arg4: memref<512x1024xbf16, #tpu.memory_space<vmem>>, %arg5: memref<1x512x256xf32, #tpu.memory_space<vmem>>) attributes {dimension_semantics = [#tpu.dimension_semantics<parallel>, #tpu.dimension_semantics<parallel>], iteration_bounds = array<i64: 16, 8>, scalar_prefetch = 0 : i64, scratch_operands = 0 : i64, tpu.core_type = #tpu.core_type<tc>, window_params = [{transform_indices = @transform_0, window_bounds = array<i64: 1, 1024, 256>}, {transform_indices = @transform_1, window_bounds = array<i64: 1, 256, 512>}, {pipeline_mode = #tpu.pipeline_mode<synchronous>, transform_indices = @transform_2, window_bounds = array<i64: 512, 1024>}, {transform_indices = @transform_3, window_bounds = array<i64: 1, 512, 256>}]} {
    %get3A = arith.constant 0 : index
    %get3A_0 = arith.constant 0 : index
    %get3A_1 = arith.constant 0 : index
    %get3A_2 = vector.load %arg2[%get3A, %get3A_0, %get3A_1] : memref<1x1024x256xf32, #tpu.memory_space<vmem>>, vector<1x1024x256xf32>
    %get3A_3 = vector.shape_cast %get3A_2 : vector<1x1024x256xf32> to vector<1024x256xf32>
    %convert_element_type3A = arith.truncf %get3A_3 : vector<1024x256xf32> to vector<1024x256xbf16>
    %get3A_4 = arith.constant 0 : index
    %get3A_5 = arith.constant 0 : index
    %get3A_6 = vector.load %arg4[%get3A_4, %get3A_5] : memref<512x1024xbf16, #tpu.memory_space<vmem>>, vector<512x1024xbf16>
    %dot_general3A = arith.constant dense<0.000000e+00> : vector<512x256xf32>
    %dot_general3A_7 = tpu.matmul %get3A_6, %convert_element_type3A, %dot_general3A {dimension_numbers = #tpu.dot_dimension_numbers<[1], [0], [0], [1], [0, 0, 1, 1], [], []>, transpose_lhs_hint = false} : vector<512x1024xbf16>, vector<1024x256xbf16>, vector<512x256xf32> -> vector<512x256xf32>
    %iota3A = tpu.iota {dimensions = array<i32: 0>} : vector<256x256xi32>
    %iota3A_8 = tpu.iota {dimensions = array<i32: 1>} : vector<256x256xi32>
    %eq3A = arith.cmpi eq, %iota3A, %iota3A_8 : vector<256x256xi32>
    %convert_element_type3A_9 = arith.extui %eq3A : vector<256x256xi1> to vector<256x256xi32>
    %convert_element_type3A_10 = arith.sitofp %convert_element_type3A_9 : vector<256x256xi32> to vector<256x256xf32>
    %convert_element_type3A_11 = arith.truncf %convert_element_type3A_10 : vector<256x256xf32> to vector<256x256xbf16>
    %get3A_12 = arith.constant 0 : index
    %get3A_13 = arith.constant 0 : index
    %get3A_14 = arith.constant 0 : index
    %get3A_15 = vector.load %arg3[%get3A_12, %get3A_13, %get3A_14] : memref<1x256x512xf32, #tpu.memory_space<vmem>>, vector<1x256x512xf32>
    %get3A_16 = vector.shape_cast %get3A_15 : vector<1x256x512xf32> to vector<256x512xf32>
    %convert_element_type3A_17 = arith.truncf %get3A_16 : vector<256x512xf32> to vector<256x512xbf16>
    %dot_general3A_18 = arith.constant dense<0.000000e+00> : vector<512x256xf32>
    %dot_general3A_19 = tpu.matmul %convert_element_type3A_17, %convert_element_type3A_11, %dot_general3A_18 {dimension_numbers = #tpu.dot_dimension_numbers<[0], [0], [1], [1], [0, 1, 1, 1], [], []>, transpose_lhs_hint = false} : vector<256x512xbf16>, vector<256x256xbf16>, vector<512x256xf32> -> vector<512x256xf32>
    %add3A = arith.addf %dot_general3A_7, %dot_general3A_19 : vector<512x256xf32>
    %swap3A = arith.constant 0 : index
    %swap3A_20 = arith.constant 0 : index
    %swap3A_21 = arith.constant 0 : index
    %swap3A_22 = vector.load %arg5[%swap3A, %swap3A_20, %swap3A_21] : memref<1x512x256xf32, #tpu.memory_space<vmem>>, vector<1x512x256xf32>
    %swap3A_23 = vector.shape_cast %swap3A_22 : vector<1x512x256xf32> to vector<512x256xf32>
    %swap3A_24 = vector.shape_cast %add3A : vector<512x256xf32> to vector<1x512x256xf32>
    tpu.vector_store %arg5[%swap3A, %swap3A_20, %swap3A_21], %swap3A_24 {strides = array<i32>} : memref<1x512x256xf32, #tpu.memory_space<vmem>>, vector<1x512x256xf32>,
    return
  }
  func.func @transform_0(%arg0: i32, %arg1: i32) -> (i32, i32, i32) {
    %c0_i32 = arith.constant 0 : i32
    %c0_i32_0 = arith.constant 0 : i32
    return %arg0, %c0_i32, %arg1 : i32, i32, i32
  }
  func.func @transform_1(%arg0: i32, %arg1: i32) -> (i32, i32, i32) {
    %c0_i32 = arith.constant 0 : i32
    %c0_i32_0 = arith.constant 0 : i32
    return %arg0, %arg1, %c0_i32 : i32, i32, i32
  }
  func.func @transform_2(%arg0: i32, %arg1: i32) -> (i32, i32) {
    %c0_i32 = arith.constant 0 : i32
    %c0_i32_0 = arith.constant 0 : i32
    %c0_i32_1 = arith.constant 0 : i32
    return %c0_i32, %c0_i32_0 : i32, i32
  }
  func.func @transform_3(%arg0: i32, %arg1: i32) -> (i32, i32, i32) {
    %c0_i32 = arith.constant 0 : i32
    %c0_i32_0 = arith.constant 0 : i32
    return %arg0, %c0_i32, %arg1 : i32, i32, i32
  }
}

</mosaic_0001>

<sc_bundles>
// kernel: kernel.4.cloned.1.call-start
scs
__scs_entry_jumppad:
0x0: {  	(pc) =	sbr.rel $0x88, $3  }
0x1: {  	(tag) =	ssettag $0x0;
	lr =	simm.s32 $0x1  }
0x2: {  	[smem:$0x3F99] =	sst lr;
	_ =	strace $0xD0000000  }
0x3: {  	_ = 	snop  }
0x4: {  	_ = 	snop  }
0x5: {  	_ = 	snop  }
0x6: {  	_ = 	snop  }
0x7: {  	_ = 	snop  }
__scs_overlays_trampoline_lowered:
0x8: {  	[smem:$0x3FA8] =	sst s0  }
0x9: {  	[smem:$0x3FA9] =	sst s1  }
0xa: {  	[smem:$0x3FAA] =	sst s2  }
0xb: {  	[smem:$0x3FAB] =	sst s3  }
0xc: {  	[smem:$0x3FAC] =	sst s4  }
0xd: {  	[smem:$0x3FAD] =	sst s5  }
0xe: {  	[smem:$0x3FAE] =	sst s6  }
0xf: {  	[smem:$0x3FAF] =	sst s7  }
0x10: {  	[smem:$0x3FB0] =	sst s8  }
0x11: {  	[smem:$0x3FB1] =	sst s9;
	s0 =	simm.s32 @!p0 $0x0  }
0x12: {  	s1 =	sld [smem:$0x3F97];
	s0 =	simm.s32 @p0 $0x1  }
0x13: {  	[smem:$0x3FB2] =	sst s0;
	s0 =	simm.s32 @!p1 $0x0  }
0x14: {  	s2 =	sld [smem:$0x3F96];
	s0 =	simm.s32 @p1 $0x1  }
0x15: {  	[smem:$0x3FB3] =	sst s0;
	s0 =	simm.s32 @!p2 $0x0  }
0x16: {  	s3 =	sld [smem:$0x3FDB];
	s0 =	simm.s32 @p2 $0x1  }
0x17: {  	s4 =	simm.s32 $0x1BF5;
	[smem:$0x3FB5] =	sst s0  }
0x18: {  	s0 =	sld [smem:$0x3F98];
	_ =	swait.ge [sflag:s4], $0x0  }
0x19: {  	s7 =	sld [smem:$0x3F99]  }
0x1a: {  	s8 =	sadd.s32 $0xFFFFE003, lr  }
0x1b: {  	s9 =	sadd.s32 $0xFFFFFEF7, lr;
	s5 =	simm.s32 $0xFFFFFFFF;
	p2 =	slt.u32 s8, $0xFFFFF086  }
0x1c: {  	p1 =	slt.u32 s9, $0xF7A;
	s5 =	simm.s32 @!p2 $0x0  }
0x1d: {  	s5 =	simm.s32 @p1 $0x1;
	p0 =	seq.s32 s7, s2  }
0x1e: {  	s7 =	smul.u32 @!p0 $0xF7A, s2;
	p2 =	seq.s32 @!p0 s5, $0x0  }
0x1f: {  	s9 =	smul.u32 $0xF7A, s1;
	s8 =	simm.s32 @!p0 $0x1BF5;
	p2 =	por !p2, p0  }
0x20: {  	[sflag:s8] =	ssyncset.s32 @!p0 $0xFFFFF086;
	s6 =	sadd.s32 @!p0 s3, s7;
	s7 =	simm.s32 @!p0 $0x108  }
0x21: {  	s3 =	sadd.s32 s3, s9;
	s6 =	sadd.s32 @!p0 $0x88, s6;
	s7 =	simm.s32 @p2 $0x1082  }
0x22: {  	[simem:s7], [sflag:s8] =	dma.local @!p0 [hbm:s6], $0xF7A  }
0x23: {  	s9 =	sor.u32 $0xD0000000, s2;
	s6 =	simm.s32 $0x108;
	_ =	swait.ge @!p0 [sflag:s8], $0x0  }
0x24: {  	s3 =	sadd.s32 $0x88, s3;
	s6 =	simm.s32 @!p1 $0x1082;
	[sflag:s4] =	ssyncset.s32 $0xFFFFF086  }
0x25: {  	[simem:s6], [sflag:s4] =	dma.local [hbm:s3], $0xF7A  }
0x26: {  	[smem:$0x3F99] =	sst s1;
	(tag) =	ssettag s2;
	_ =	strace s9  }
0x27: {  	s1 =	sld [smem:$0x3FA9]  }
0x28: {  	s2 =	sld [smem:$0x3FAA]  }
0x29: {  	s4 =	sld [smem:$0x3FAC]  }
0x2a: {  	p0 =	seq.s32 s5, $0x0;
	s5 =	sld [smem:$0x3FAD]  }
0x2b: {  	s6 =	sld [smem:$0x3FAE]  }
0x2c: {  	s7 =	sld [smem:$0x3FAF]  }
0x2d: {  	s3 =	simm.s32 $0x108;
	s8 =	sld [smem:$0x3FB0]  }
0x2e: {  	s3 =	simm.s32 @!p0 $0x1082;
	s9 =	sld [smem:$0x3FB1]  }
0x2f: {  	lr =	sadd.s32 s0, s3;
	s0 =	sld [smem:$0x3FA8]  }
0x30: {  	s3 =	sld [smem:$0x3FAB]  }
0x31: {  	[smem:$0x3FB4] =	sst s10  }
0x32: {  	s10 =	sld [smem:$0x3FB2];
	_ =	sdelay $0x3  }
0x33: {  	p0 =	seq.s32 s10, $0x1;
	s10 =	sld [smem:$0x3FB4];
	_ =	sdelay $0x3  }
0x34: {  	[smem:$0x3FB4] =	sst s10  }
0x35: {  	s10 =	sld [smem:$0x3FB3];
	_ =	sdelay $0x3  }
0x36: {  	p1 =	seq.s32 s10, $0x1;
	s10 =	sld [smem:$0x3FB4];
	_ =	sdelay $0x3  }
0x37: {  	[smem:$0x3FB4] =	sst s10  }
0x38: {  	s10 =	sld [smem:$0x3FB5]  }
0x39: {  	_ = 	snop;
	(pc) =	sbr.ind lr, $3  }
0x3a: {  	_ = 	snop  }
0x3b: {  	_ = 	snop  }
0x3c: {  	p2 =	seq.s32 s10, $0x1;
	s10 =	sld [smem:$0x3FB4]  }
0x3d: {  	_ =	shalt  }
0x3e: {  	_ =	shalt  }
0x3f: {  	_ =	shalt  }
0x40: {  	_ =	shalt  }
0x41: {  	_ =	shalt  }
0x42: {  	_ =	shalt  }
0x43: {  	_ =	shalt  }
0x44: {  	_ =	shalt  }
0x45: {  	_ =	shalt  }
0x46: {  	_ =	shalt  }
0x47: {  	_ =	shalt  }
0x48: {  	_ =	shalt  }
0x49: {  	_ =	shalt  }
0x4a: {  	_ =	shalt  }
0x4b: {  	_ =	shalt  }
0x4c: {  	_ =	shalt  }
0x4d: {  	_ =	shalt  }
0x4e: {  	_ =	shalt  }
0x4f: {  	_ =	shalt  }
0x50: {  	_ =	shalt  }
0x51: {  	_ =	shalt  }
0x52: {  	_ =	shalt  }
0x53: {  	_ =	shalt  }
0x54: {  	_ =	shalt  }
0x55: {  	_ =	shalt  }
0x56: {  	_ =	shalt  }
0x57: {  	_ =	shalt  }
0x58: {  	_ =	shalt  }
0x59: {  	_ =	shalt  }
0x5a: {  	_ =	shalt  }
0x5b: {  	_ =	shalt  }
0x5c: {  	_ =	shalt  }
0x5d: {  	_ =	shalt  }
0x5e: {  	_ =	shalt  }
0x5f: {  	_ =	shalt  }
0x60: {  	_ =	shalt  }
0x61: {  	_ =	shalt  }
0x62: {  	_ =	shalt  }
0x63: {  	_ =	shalt  }
0x64: {  	_ =	shalt  }
0x65: {  	_ =	shalt  }
0x66: {  	_ =	shalt  }
0x67: {  	_ =	shalt  }
0x68: {  	_ =	shalt  }
0x69: {  	_ =	shalt  }
0x6a: {  	_ =	shalt  }
0x6b: {  	_ =	shalt  }
0x6c: {  	_ =	shalt  }
0x6d: {  	_ =	shalt  }
0x6e: {  	_ =	shalt  }
0x6f: {  	_ =	shalt  }
0x70: {  	_ =	shalt  }
0x71: {  	_ =	shalt  }
0x72: {  	_ =	shalt  }
0x73: {  	_ =	shalt  }
0x74: {  	_ =	shalt  }
0x75: {  	_ =	shalt  }
0x76: {  	_ =	shalt  }
0x77: {  	_ =	shalt  }
0x78: {  	_ =	shalt  }
0x79: {  	_ =	shalt  }
0x7a: {  	_ =	shalt  }
0x7b: {  	_ =	shalt  }
0x7c: {  	_ =	shalt  }
0x7d: {  	_ =	shalt  }
0x7e: {  	_ =	shalt  }
0x7f: {  	_ =	shalt  }
0x80: {  	_ =	shalt  }
0x81: {  	_ =	shalt  }
0x82: {  	_ =	shalt  }
0x83: {  	_ =	shalt  }
0x84: {  	_ =	shalt  }
0x85: {  	_ =	shalt  }
0x86: {  	_ =	shalt  }
0x87: {  	_ =	shalt  }
.Lfunc_end0:
.L_simem_size_0:
called_computation_lowered:
.L_overlay_start_0:
0x88: {  	s2 =	sld [smem:$0x3FD9]  }
0x89: {  	s3 =	sld [smem:$0x3FFE];
	_ =	sdelay $0x1  }
0x8a: {  	s1 =	srdreg.scid  }
0x8b: {  	s0 =	sand.u32 $0x1, s1  }
0x8c: {  	s17 =	sshll.u32 s0, $0xA;
	s2 =	sadd.s32 s3, s2  }
0x8d: {  	s2 =	sadd.s32 s2, s17  }
0x8e: {  	[smem:$0x3FC0] =	sst s2  }
0x8f: {  	_ = 	snop  }
0x90: {  	s2 =	sld [smem:$0x3FC5]  }
0x91: {  	s18 =	sld [smem:$0x3FC4]  }
0x92: {  	s4 =	sld [smem:$0x3FC3]  }
0x93: {  	s5 =	sld [smem:$0x3FD0];
	(tm) =	ssettm $0x1  }
0x94: {  	s6 =	sld [smem:$0x3FFB];
	_ =	sdelay $0x3  }
0x95: {  	_ =	strace s6  }
0x96: {  	s6 =	sld [smem:$0x3FFC];
	_ =	sdelay $0x3  }
0x97: {  	_ =	strace s6  }
0x98: {  	s6 =	sld [smem:$0x3FFD];
	_ =	sdelay $0x3  }
0x99: {  	_ =	strace s6  }
0x9a: {  	_ =	strace $0x8FFFFFFF  }
0x9b: {  	s19 =	sld [smem:$0x3FDB];
	_ =	sdelay $0x1  }
0x9c: {  	s7 =	simm.s32 $_scs_section_size  }
0x9d: {  	s8 =	simm.s32 $_size__tile_overlayer_lowered;
	s9 =	simm.s32 $_tile_overlayer_lowered  }
0x9e: {  	s22 =	simm.s32 $0x1BFF;
	s21 =	sshll.u32 s9, $0x1;
	s6 =	sadd.s32 s7, s19  }
0x9f: {  	s10 =	simm.s32 $0x0;
	s20 =	sshll.u32 s8, $0x1;
	s8 =	sadd.s32 s21, s6  }
0xa0: {  	[timem:s10], [sflag:s22] =	dma.local [hbm:s8], s20  }
0xa1: {  	_ =	swait.ge [sflag:s22], s20  }
0xa2: {  	s7 =	ssub.s32 $0x0, s20;
	[sflag:s22] =	ssyncset.done $0x0  }
0xa3: {  	[sflag:s22] =	ssyncadd.s32 s7;
	_ =	sdelay $0x1  }
0xa4: {  	s23 =	simm.s32 $0x1B8B  }
0xa5: {  	_ =	swait.ge [sflag:s23], $0x1  }
0xa6: {  	[sflag:s23] =	ssyncset.done $0x0  }
0xa7: {  	s25 =	simm.s32 $0x1B8E;
	s24 =	sld [smem:$0x3FFE];
	[sflag:s23] =	ssyncadd.s32 $0xFFFFFFFF  }
0xa8: {  	s26 =	simm.s32 $execute0_lowered;
	[smem:$0x3FD2] =	sst s25  }
0xa9: {  	s8 =	sshll.u32 s26, $0x1;
	_ =	strace $0x80000046;
	[dreg:$0x1] =	wrdreg $0xFFFFFFFF  }
0xaa: {  	s28 =	simm.s32 $_size_execute0_lowered;
	s6 =	sadd.s32 s6, s8;
	[dreg:$0x0] =	wrdreg $0x0  }
0xab: {  	s8 =	sshll.u32 s28, $0x1;
	[dreg:$0x2] =	wrdreg s6  }
0xac: {  	[dreg:$0x3] =	wrdreg s8  }
0xad: {  	[dreg:$0x4] =	wrdreg $0xC0  }
0xae: {  	_ =	task [dreg:s10], $0x5FFFF  }
0xaf: {  	[dreg:$0x1] =	wrdreg $0xFFFFFFFF  }
0xb0: {  	[dreg:$0x0] =	wrdreg $0x60  }
0xb1: {  	[dreg:$0x2] =	wrdreg s5  }
0xb2: {  	[dreg:$0x3] =	wrdreg s24  }
0xb3: {  	[dreg:$0x4] =	wrdreg s2  }
0xb4: {  	[dreg:$0x5] =	wrdreg s18  }
0xb5: {  	[dreg:$0x6] =	wrdreg s4  }
0xb6: {  	[dreg:$0x7] =	wrdreg $0x9  }
0xb7: {  	_ =	task.clear_ibuf [dreg:s10], $0x8FFFF;
	_ =	strace $0x90000046  }
0xb8: {  	s29 =	simm.s32 $0x9;
	_ =	strace $0x80000048  }
0xb9: {  	_ =	swait.ge [sflag:s29], $0x1  }
0xba: {  	[sflag:s29] =	ssyncadd.s32 $0xFFFFFFFF  }
0xbb: {  	_ =	strace $0x90000048  }
0xbc: {  	_ =	sfence  }
0xbd: {  	s30 =	sld [smem:$0x0];
	_ =	sdelay $0x2  }
0xbe: {  	s31 =	sshll.u32 s1, $0xD;
	s1 =	sshrl.u32 s1, $0x2  }
0xbf: {  	s3 =	sand.u32 $0x4000, s31;
	s1 =	sadd.s32 s1, s30  }
0xc0: {  	s0 =	sor.u32 s3, s0;
	s1 =	sshll.u32 s1, $0x11  }
0xc1: {  	s0 =	sor.u32 s1, s0  }
0xc2: {  	s0 =	sadd.s32 $0x8F2B, s0  }
0xc3: {  	[sflag:s0] =	ssyncadd.remote.s32 $0x1  }
0xc4: {  	_ =	sfence.sel $0xFFFF  }
0xc5: {  	[dreg:$0x0] =	wrdreg $0xFFFFFFFF;
	(pc) =	sbr.abs _section_cstart, $3  }
0xc6: {  	[dreg:$0x1] =	wrdreg $0xFFFFFFFF  }
0xc7: {  	_ =	task.clear_ibuf [dreg:s10], $0x2FFFF;
	_ =	strace $0x9FFFFFFF  }
0xc8: {  	(tm) =	ssettm $0x7FFFFFFF  }
0xc9: {  	_ =	shalt  }
tec
execute0_lowered:
.L_overlay_start_1:
0x0: {  	(tag) =	ssettag $0x1  }
0x1: {  	s0 =	rddreg [dreg:$0x1]  }
0x2: {  	s2 =	rddreg [dreg:$0x2]  }
0x3: {  	s3 =	rddreg [dreg:$0x3]  }
0x4: {  	s4 =	rddreg [dreg:$0x4];
	s1 =	simm.s32 $0x0  }
0x5: {  	s24 =	srdreg.scid;
	s6 =	stileid.u32;
	s15 =	simm.s32 $0x4  }
0x6: {  	s18 =	simm.s32 $0x180;
	s20 =	simm.s32 $0x14180;
	s21 =	simm.s32 $0x14980  }
0x7: {  	s22 =	simm.s32 $0x15180;
	s23 =	simm.s32 $0x15980;
	s28 =	simm.s32 $0x17980  }
0x8: {  	s29 =	simm.s32 $0x1;
	s30 =	simm.s32 $0x2;
	s31 =	simm.s32 $0x3  }
0x9: {  	[smem:$0x7FF] =	sst s1;
	s1 =	sand.u32 $0x1, s24;
	s7 =	sadd.s32 $0x600, s0  }
0xa: {  	s8 =	sadd.s32 $0x1600, s0;
	s9 =	sadd.s32 $0x2600, s0;
	s26 =	sshll.u32 s6, $0xB  }
0xb: {  	s11 =	sadd.s32 $0x100, s2;
	s12 =	sadd.s32 $0x100, s3;
	s5 =	ssub.s32 $0x2, s1  }
0xc: {  	s13 =	sadd.s32 $0x100, s4;
	s24 =	simm.s32 $0x16180;
	s25 =	sshrl.u32 s5, $0x1  }
0xd: {  	v2 =	vlaneseq.u32;
	_ =	strace $0x80000047;
	s1 =	sshll.u32 s1, $0xA;
	s0 =	ssub.s32 s5, s25  }
0xe: {  	vm0 =	vmmov $0xffff;
	v1 =	vshrl.u32 v2, $0x3;
	s10 =	sor.u32 s1, s26;
	s26 =	simm.s32 $0x17180;
	s0 =	smax.u32 s0, $0x1  }
0xf: {  	v0 =	vand.u32 $0x7, v2;
	v2 =	vor.u32 $0x8, v2;
	v1 =	vmul.u32 $0x8, v1;
	s1 =	simm.s32 $0x0;
	s25 =	simm.s32 $0x16980;
	[dreg:$0x6] =	wrdreg s0  }
.LBB2_1:
0x10: {  	[dreg:$0x7] =	wrdreg s1;
	s0 =	simm.s32 $0x0  }
.LBB2_2:
0x11: {  	s1 =	sshll.u32 s0, $0x6  }
0x12: {  	s6 =	sadd.s32 s10, s1  }
0x13: {  	s5 =	rddreg [dreg:$0x0];
	s1 =	sshrl.u32 s6, $0x3  }
0x14: {  	s14 =	simm.s32 $0x0;
	s5 =	sadd.s32 s5, s1  }
0x15: {  	[tilespmem:s14], [sflag:$0x4] =	stream.linear.gather [hbm4b:s5+s14], $0x40, $0x38;
	[tilespmem:$0x18180] =	vst v63  }
0x16: {  	_ =	swait.ge [sflag:s15], $0x40  }
0x17: {  	[sflag:s15] =	ssyncset.done $0x0  }
0x18: {  	s16 =	simm.s32 $0x80;
	s17 =	sadd.s32 s7, s1;
	[sflag:s15] =	ssyncadd.s32 $0xFFFFFFC0  }
0x19: {  	[tilespmem:s16], [sflag:$0x4] =	stream.linear.gather [hbm4b:s17+s14], $0x40, $0x38;
	[tilespmem:$0x18180] =	vst v63  }
0x1a: {  	_ =	swait.ge [sflag:s15], $0x40  }
0x1b: {  	[sflag:s15] =	ssyncset.done $0x0  }
0x1c: {  	s19 =	simm.s32 $0x100;
	s1 =	sadd.s32 s8, s1;
	[sflag:s15] =	ssyncadd.s32 $0xFFFFFFC0  }
0x1d: {  	[tilespmem:s19], [sflag:$0x4] =	stream.linear.gather [hbm4b:s1+s14], $0x40, $0x38;
	[tilespmem:$0x18180] =	vst v63  }
0x1e: {  	_ =	swait.ge [sflag:s15], $0x40  }
0x1f: {  	[sflag:s15] =	ssyncset.done $0x0  }
0x20: {  	[sflag:s15] =	ssyncadd.s32 $0xFFFFFFC0  }
0x21: {  	v3 =	vld [tilespmem:$0x0];
	_ =	sdelay $0x4  }
0x22: {  	v4 =	vshll.u32 v3, $0x2  }
0x23: {  	v3 =	vand.u32 $0x7, v3;
	v4 =	vand.u32 $0xFFFFFFE0, v4  }
0x24: {  	v3 =	vor.u32 v3, v4  }
0x25: {  	v4 =	vperm.xlane v3, v0;
	_ =	sdelay $0x1  }
0x26: {  	v4 =	vadd.s32 v1, v4;
	_ =	sdelay $0x1  }
0x27: {  	v3 =	vperm.xlane v3, v2;
	_ =	sdelay $0x1  }
0x28: {  	v3 =	vadd.s32 v1, v3  }
0x29: {  	[tilespmem:s18], [sflag:$0x1] =	stream.indirect_vreg.gather [hbm4b:s2+s14], $0x80, v4, vm0, $0xb8;
	[tilespmem:$0x18180] =	vst v63  }
0x2a: {  	s16 =	simm.s32 $0x980  }
0x2b: {  	[tilespmem:s16], [sflag:$0x1] =	stream.indirect_vreg.gather [hbm4b:s11+s14], $0x80, v4, vm0, $0xb8;
	[tilespmem:$0x18180] =	vst v63  }
0x2c: {  	s17 =	simm.s32 $0x1180  }
0x2d: {  	[tilespmem:s17], [sflag:$0x1] =	stream.indirect_vreg.gather [hbm4b:s2+s14], $0x80, v3, vm0, $0xb8;
	[tilespmem:$0x18180] =	vst v63  }
0x2e: {  	s19 =	simm.s32 $0x1980  }
0x2f: {  	[tilespmem:s19], [sflag:$0x1] =	stream.indirect_vreg.gather [hbm4b:s11+s14], $0x80, v3, vm0, $0xb8;
	[tilespmem:$0x18180] =	vst v63  }
0x30: {  	v3 =	vld [tilespmem:$0x10];
	_ =	sdelay $0x4  }
0x31: {  	v4 =	vshll.u32 v3, $0x2  }
0x32: {  	v3 =	vand.u32 $0x7, v3;
	v4 =	vand.u32 $0xFFFFFFE0, v4  }
0x33: {  	v3 =	vor.u32 v3, v4  }
0x34: {  	v4 =	vperm.xlane v3, v0;
	_ =	sdelay $0x1  }
0x35: {  	v4 =	vadd.s32 v1, v4;
	_ =	sdelay $0x1  }
0x36: {  	v3 =	vperm.xlane v3, v2;
	_ =	sdelay $0x1  }
0x37: {  	s5 =	simm.s32 $0x2180;
	v3 =	vadd.s32 v1, v3  }
0x38: {  	[tilespmem:s5], [sflag:$0x1] =	stream.indirect_vreg.gather [hbm4b:s2+s14], $0x80, v4, vm0, $0xb8;
	[tilespmem:$0x18180] =	vst v63  }
0x39: {  	s16 =	simm.s32 $0x2980  }
0x3a: {  	[tilespmem:s16], [sflag:$0x1] =	stream.indirect_vreg.gather [hbm4b:s11+s14], $0x80, v4, vm0, $0xb8;
	[tilespmem:$0x18180] =	vst v63  }
0x3b: {  	s17 =	simm.s32 $0x3180  }
0x3c: {  	[tilespmem:s17], [sflag:$0x1] =	stream.indirect_vreg.gather [hbm4b:s2+s14], $0x80, v3, vm0, $0xb8;
	[tilespmem:$0x18180] =	vst v63  }
0x3d: {  	s19 =	simm.s32 $0x3980  }
0x3e: {  	[tilespmem:s19], [sflag:$0x1] =	stream.indirect_vreg.gather [hbm4b:s11+s14], $0x80, v3, vm0, $0xb8;
	[tilespmem:$0x18180] =	vst v63  }
0x3f: {  	v3 =	vld [tilespmem:$0x20];
	_ =	sdelay $0x4  }
0x40: {  	v4 =	vshll.u32 v3, $0x2  }
0x41: {  	v3 =	vand.u32 $0x7, v3;
	v4 =	vand.u32 $0xFFFFFFE0, v4  }
0x42: {  	v3 =	vor.u32 v3, v4  }
0x43: {  	v4 =	vperm.xlane v3, v0;
	_ =	sdelay $0x1  }
0x44: {  	v4 =	vadd.s32 v1, v4;
	_ =	sdelay $0x1  }
0x45: {  	v3 =	vperm.xlane v3, v2;
	_ =	sdelay $0x1  }
0x46: {  	s5 =	simm.s32 $0x4180;
	v3 =	vadd.s32 v1, v3  }
0x47: {  	[tilespmem:s5], [sflag:$0x1] =	stream.indirect_vreg.gather [hbm4b:s2+s14], $0x80, v4, vm0, $0xb8;
	[tilespmem:$0x18180] =	vst v63  }
0x48: {  	s16 =	simm.s32 $0x4980  }
0x49: {  	[tilespmem:s16], [sflag:$0x1] =	stream.indirect_vreg.gather [hbm4b:s11+s14], $0x80, v4, vm0, $0xb8;
	[tilespmem:$0x18180] =	vst v63  }
0x4a: {  	s17 =	simm.s32 $0x5180  }
0x4b: {  	[tilespmem:s17], [sflag:$0x1] =	stream.indirect_vreg.gather [hbm4b:s2+s14], $0x80, v3, vm0, $0xb8;
	[tilespmem:$0x18180] =	vst v63  }
0x4c: {  	s19 =	simm.s32 $0x5980  }
0x4d: {  	[tilespmem:s19], [sflag:$0x1] =	stream.indirect_vreg.gather [hbm4b:s11+s14], $0x80, v3, vm0, $0xb8;
	[tilespmem:$0x18180] =	vst v63  }
0x4e: {  	v3 =	vld [tilespmem:$0x30];
	_ =	sdelay $0x4  }
0x4f: {  	v4 =	vshll.u32 v3, $0x2  }
0x50: {  	v3 =	vand.u32 $0x7, v3;
	v4 =	vand.u32 $0xFFFFFFE0, v4  }
0x51: {  	v3 =	vor.u32 v3, v4  }
0x52: {  	v4 =	vperm.xlane v3, v0;
	_ =	sdelay $0x1  }
0x53: {  	v4 =	vadd.s32 v1, v4;
	_ =	sdelay $0x1  }
0x54: {  	v3 =	vperm.xlane v3, v2;
	_ =	sdelay $0x1  }
0x55: {  	s5 =	simm.s32 $0x6180;
	v3 =	vadd.s32 v1, v3  }
0x56: {  	[tilespmem:s5], [sflag:$0x1] =	stream.indirect_vreg.gather [hbm4b:s2+s14], $0x80, v4, vm0, $0xb8;
	[tilespmem:$0x18180] =	vst v63  }
0x57: {  	s16 =	simm.s32 $0x6980  }
0x58: {  	[tilespmem:s16], [sflag:$0x1] =	stream.indirect_vreg.gather [hbm4b:s11+s14], $0x80, v4, vm0, $0xb8;
	[tilespmem:$0x18180] =	vst v63  }
0x59: {  	s17 =	simm.s32 $0x7180  }
0x5a: {  	[tilespmem:s17], [sflag:$0x1] =	stream.indirect_vreg.gather [hbm4b:s2+s14], $0x80, v3, vm0, $0xb8;
	[tilespmem:$0x18180] =	vst v63  }
0x5b: {  	s19 =	simm.s32 $0x7980  }
0x5c: {  	[tilespmem:s19], [sflag:$0x1] =	stream.indirect_vreg.gather [hbm4b:s11+s14], $0x80, v3, vm0, $0xb8;
	[tilespmem:$0x18180] =	vst v63  }
0x5d: {  	v3 =	vld [tilespmem:$0x80];
	_ =	sdelay $0x4  }
0x5e: {  	v4 =	vshll.u32 v3, $0x2  }
0x5f: {  	v3 =	vand.u32 $0x7, v3;
	v4 =	vand.u32 $0xFFFFFFE0, v4  }
0x60: {  	v3 =	vor.u32 v3, v4  }
0x61: {  	v4 =	vperm.xlane v3, v0;
	_ =	sdelay $0x1  }
0x62: {  	v4 =	vadd.s32 v1, v4;
	_ =	sdelay $0x1  }
0x63: {  	v3 =	vperm.xlane v3, v2;
	_ =	sdelay $0x1  }
0x64: {  	s5 =	simm.s32 $0x8180;
	v3 =	vadd.s32 v1, v3  }
0x65: {  	[tilespmem:s5], [sflag:$0x2] =	stream.indirect_vreg.gather [hbm4b:s3+s14], $0x80, v4, vm0, $0xb8;
	[tilespmem:$0x18180] =	vst v63  }
0x66: {  	s16 =	simm.s32 $0x8980  }
0x67: {  	[tilespmem:s16], [sflag:$0x2] =	stream.indirect_vreg.gather [hbm4b:s12+s14], $0x80, v4, vm0, $0xb8;
	[tilespmem:$0x18180] =	vst v63  }
0x68: {  	s17 =	simm.s32 $0x9180  }
0x69: {  	[tilespmem:s17], [sflag:$0x2] =	stream.indirect_vreg.gather [hbm4b:s3+s14], $0x80, v3, vm0, $0xb8;
	[tilespmem:$0x18180] =	vst v63  }
0x6a: {  	s19 =	simm.s32 $0x9980  }
0x6b: {  	[tilespmem:s19], [sflag:$0x2] =	stream.indirect_vreg.gather [hbm4b:s12+s14], $0x80, v3, vm0, $0xb8;
	[tilespmem:$0x18180] =	vst v63  }
0x6c: {  	v3 =	vld [tilespmem:$0x90];
	_ =	sdelay $0x4  }
0x6d: {  	v4 =	vshll.u32 v3, $0x2  }
0x6e: {  	v3 =	vand.u32 $0x7, v3;
	v4 =	vand.u32 $0xFFFFFFE0, v4  }
0x6f: {  	v3 =	vor.u32 v3, v4  }
0x70: {  	v4 =	vperm.xlane v3, v0;
	_ =	sdelay $0x1  }
0x71: {  	v4 =	vadd.s32 v1, v4;
	_ =	sdelay $0x1  }
0x72: {  	v3 =	vperm.xlane v3, v2;
	_ =	sdelay $0x1  }
0x73: {  	s5 =	simm.s32 $0xA180;
	v3 =	vadd.s32 v1, v3  }
0x74: {  	[tilespmem:s5], [sflag:$0x2] =	stream.indirect_vreg.gather [hbm4b:s3+s14], $0x80, v4, vm0, $0xb8;
	[tilespmem:$0x18180] =	vst v63  }
0x75: {  	s16 =	simm.s32 $0xA980  }
0x76: {  	[tilespmem:s16], [sflag:$0x2] =	stream.indirect_vreg.gather [hbm4b:s12+s14], $0x80, v4, vm0, $0xb8;
	[tilespmem:$0x18180] =	vst v63  }
0x77: {  	s17 =	simm.s32 $0xB180  }
0x78: {  	[tilespmem:s17], [sflag:$0x2] =	stream.indirect_vreg.gather [hbm4b:s3+s14], $0x80, v3, vm0, $0xb8;
	[tilespmem:$0x18180] =	vst v63  }
0x79: {  	s19 =	simm.s32 $0xB980  }
0x7a: {  	[tilespmem:s19], [sflag:$0x2] =	stream.indirect_vreg.gather [hbm4b:s12+s14], $0x80, v3, vm0, $0xb8;
	[tilespmem:$0x18180] =	vst v63  }
0x7b: {  	v3 =	vld [tilespmem:$0xA0];
	_ =	sdelay $0x4  }
0x7c: {  	v4 =	vshll.u32 v3, $0x2  }
0x7d: {  	v3 =	vand.u32 $0x7, v3;
	v4 =	vand.u32 $0xFFFFFFE0, v4  }
0x7e: {  	v3 =	vor.u32 v3, v4  }
0x7f: {  	v4 =	vperm.xlane v3, v0;
	_ =	sdelay $0x1  }
0x80: {  	v4 =	vadd.s32 v1, v4;
	_ =	sdelay $0x1  }
0x81: {  	v3 =	vperm.xlane v3, v2;
	_ =	sdelay $0x1  }
0x82: {  	s5 =	simm.s32 $0xC180;
	v3 =	vadd.s32 v1, v3  }
0x83: {  	[tilespmem:s5], [sflag:$0x2] =	stream.indirect_vreg.gather [hbm4b:s3+s14], $0x80, v4, vm0, $0xb8;
	[tilespmem:$0x18180] =	vst v63  }
0x84: {  	s16 =	simm.s32 $0xC980  }
0x85: {  	[tilespmem:s16], [sflag:$0x2] =	stream.indirect_vreg.gather [hbm4b:s12+s14], $0x80, v4, vm0, $0xb8;
	[tilespmem:$0x18180] =	vst v63  }
0x86: {  	s17 =	simm.s32 $0xD180  }
0x87: {  	[tilespmem:s17], [sflag:$0x2] =	stream.indirect_vreg.gather [hbm4b:s3+s14], $0x80, v3, vm0, $0xb8;
	[tilespmem:$0x18180] =	vst v63  }
0x88: {  	s19 =	simm.s32 $0xD980  }
0x89: {  	[tilespmem:s19], [sflag:$0x2] =	stream.indirect_vreg.gather [hbm4b:s12+s14], $0x80, v3, vm0, $0xb8;
	[tilespmem:$0x18180] =	vst v63  }
0x8a: {  	v3 =	vld [tilespmem:$0xB0];
	_ =	sdelay $0x4  }
0x8b: {  	v4 =	vshll.u32 v3, $0x2  }
0x8c: {  	v3 =	vand.u32 $0x7, v3;
	v4 =	vand.u32 $0xFFFFFFE0, v4  }
0x8d: {  	v3 =	vor.u32 v3, v4  }
0x8e: {  	v4 =	vperm.xlane v3, v0;
	_ =	sdelay $0x1  }
0x8f: {  	v4 =	vadd.s32 v1, v4;
	_ =	sdelay $0x1  }
0x90: {  	v3 =	vperm.xlane v3, v2;
	_ =	sdelay $0x1  }
0x91: {  	s5 =	simm.s32 $0xE180;
	v3 =	vadd.s32 v1, v3  }
0x92: {  	[tilespmem:s5], [sflag:$0x2] =	stream.indirect_vreg.gather [hbm4b:s3+s14], $0x80, v4, vm0, $0xb8;
	[tilespmem:$0x18180] =	vst v63  }
0x93: {  	s16 =	simm.s32 $0xE980  }
0x94: {  	[tilespmem:s16], [sflag:$0x2] =	stream.indirect_vreg.gather [hbm4b:s12+s14], $0x80, v4, vm0, $0xb8;
	[tilespmem:$0x18180] =	vst v63  }
0x95: {  	s17 =	simm.s32 $0xF180  }
0x96: {  	[tilespmem:s17], [sflag:$0x2] =	stream.indirect_vreg.gather [hbm4b:s3+s14], $0x80, v3, vm0, $0xb8;
	[tilespmem:$0x18180] =	vst v63  }
0x97: {  	s19 =	simm.s32 $0xF980  }
0x98: {  	[tilespmem:s19], [sflag:$0x2] =	stream.indirect_vreg.gather [hbm4b:s12+s14], $0x80, v3, vm0, $0xb8;
	[tilespmem:$0x18180] =	vst v63  }
0x99: {  	v3 =	vld [tilespmem:$0x100];
	_ =	sdelay $0x4  }
0x9a: {  	v4 =	vshll.u32 v3, $0x2  }
0x9b: {  	v3 =	vand.u32 $0x7, v3;
	v4 =	vand.u32 $0xFFFFFFE0, v4  }
0x9c: {  	v3 =	vor.u32 v3, v4  }
0x9d: {  	v4 =	vperm.xlane v3, v0;
	_ =	sdelay $0x1  }
0x9e: {  	v4 =	vadd.s32 v1, v4;
	_ =	sdelay $0x1  }
0x9f: {  	v3 =	vperm.xlane v3, v2;
	_ =	sdelay $0x1  }
0xa0: {  	s5 =	simm.s32 $0x10180;
	v3 =	vadd.s32 v1, v3  }
0xa1: {  	[tilespmem:s5], [sflag:$0x3] =	stream.indirect_vreg.gather [hbm4b:s4+s14], $0x80, v4, vm0, $0xb8;
	[tilespmem:$0x18180] =	vst v63  }
0xa2: {  	s16 =	simm.s32 $0x10980  }
0xa3: {  	[tilespmem:s16], [sflag:$0x3] =	stream.indirect_vreg.gather [hbm4b:s13+s14], $0x80, v4, vm0, $0xb8;
	[tilespmem:$0x18180] =	vst v63  }
0xa4: {  	s17 =	simm.s32 $0x11180  }
0xa5: {  	[tilespmem:s17], [sflag:$0x3] =	stream.indirect_vreg.gather [hbm4b:s4+s14], $0x80, v3, vm0, $0xb8;
	[tilespmem:$0x18180] =	vst v63  }
0xa6: {  	s19 =	simm.s32 $0x11980  }
0xa7: {  	[tilespmem:s19], [sflag:$0x3] =	stream.indirect_vreg.gather [hbm4b:s13+s14], $0x80, v3, vm0, $0xb8;
	[tilespmem:$0x18180] =	vst v63  }
0xa8: {  	v3 =	vld [tilespmem:$0x110];
	_ =	sdelay $0x4  }
0xa9: {  	v4 =	vshll.u32 v3, $0x2  }
0xaa: {  	v3 =	vand.u32 $0x7, v3;
	v4 =	vand.u32 $0xFFFFFFE0, v4  }
0xab: {  	v3 =	vor.u32 v3, v4  }
0xac: {  	v4 =	vperm.xlane v3, v0;
	_ =	sdelay $0x1  }
0xad: {  	v4 =	vadd.s32 v1, v4;
	_ =	sdelay $0x1  }
0xae: {  	v3 =	vperm.xlane v3, v2;
	_ =	sdelay $0x1  }
0xaf: {  	s5 =	simm.s32 $0x12180;
	v3 =	vadd.s32 v1, v3  }
0xb0: {  	[tilespmem:s5], [sflag:$0x3] =	stream.indirect_vreg.gather [hbm4b:s4+s14], $0x80, v4, vm0, $0xb8;
	[tilespmem:$0x18180] =	vst v63  }
0xb1: {  	s16 =	simm.s32 $0x12980  }
0xb2: {  	[tilespmem:s16], [sflag:$0x3] =	stream.indirect_vreg.gather [hbm4b:s13+s14], $0x80, v4, vm0, $0xb8;
	[tilespmem:$0x18180] =	vst v63  }
0xb3: {  	s17 =	simm.s32 $0x13180  }
0xb4: {  	[tilespmem:s17], [sflag:$0x3] =	stream.indirect_vreg.gather [hbm4b:s4+s14], $0x80, v3, vm0, $0xb8;
	[tilespmem:$0x18180] =	vst v63  }
0xb5: {  	s19 =	simm.s32 $0x13980  }
0xb6: {  	[tilespmem:s19], [sflag:$0x3] =	stream.indirect_vreg.gather [hbm4b:s13+s14], $0x80, v3, vm0, $0xb8;
	[tilespmem:$0x18180] =	vst v63  }
0xb7: {  	v3 =	vld [tilespmem:$0x120];
	_ =	sdelay $0x4  }
0xb8: {  	v4 =	vshll.u32 v3, $0x2  }
0xb9: {  	v3 =	vand.u32 $0x7, v3;
	v4 =	vand.u32 $0xFFFFFFE0, v4  }
0xba: {  	v3 =	vor.u32 v3, v4  }
0xbb: {  	v4 =	vperm.xlane v3, v0;
	_ =	sdelay $0x1  }
0xbc: {  	v4 =	vadd.s32 v1, v4;
	_ =	sdelay $0x1  }
0xbd: {  	v3 =	vperm.xlane v3, v2;
	_ =	sdelay $0x1  }
0xbe: {  	v3 =	vadd.s32 v1, v3  }
0xbf: {  	[tilespmem:s20], [sflag:$0x3] =	stream.indirect_vreg.gather [hbm4b:s4+s14], $0x80, v4, vm0, $0xb8;
	[tilespmem:$0x18180] =	vst v63  }
0xc0: {  	_ = 	snop  }
0xc1: {  	[tilespmem:s21], [sflag:$0x3] =	stream.indirect_vreg.gather [hbm4b:s13+s14], $0x80, v4, vm0, $0xb8;
	[tilespmem:$0x18180] =	vst v63  }
0xc2: {  	_ = 	snop  }
0xc3: {  	[tilespmem:s22], [sflag:$0x3] =	stream.indirect_vreg.gather [hbm4b:s4+s14], $0x80, v3, vm0, $0xb8;
	[tilespmem:$0x18180] =	vst v63  }
0xc4: {  	_ = 	snop  }
0xc5: {  	[tilespmem:s23], [sflag:$0x3] =	stream.indirect_vreg.gather [hbm4b:s13+s14], $0x80, v3, vm0, $0xb8;
	[tilespmem:$0x18180] =	vst v63  }
0xc6: {  	v3 =	vld [tilespmem:$0x130];
	_ =	sdelay $0x4  }
0xc7: {  	v4 =	vshll.u32 v3, $0x2  }
0xc8: {  	v3 =	vand.u32 $0x7, v3;
	v4 =	vand.u32 $0xFFFFFFE0, v4  }
0xc9: {  	v3 =	vor.u32 v3, v4  }
0xca: {  	v4 =	vperm.xlane v3, v0;
	_ =	sdelay $0x1  }
0xcb: {  	v4 =	vadd.s32 v1, v4;
	_ =	sdelay $0x1  }
0xcc: {  	v3 =	vperm.xlane v3, v2;
	_ =	sdelay $0x1  }
0xcd: {  	v3 =	vadd.s32 v1, v3  }
0xce: {  	[tilespmem:s24], [sflag:$0x3] =	stream.indirect_vreg.gather [hbm4b:s4+s14], $0x80, v4, vm0, $0xb8;
	[tilespmem:$0x18180] =	vst v63  }
0xcf: {  	_ = 	snop  }
0xd0: {  	[tilespmem:s25], [sflag:$0x3] =	stream.indirect_vreg.gather [hbm4b:s13+s14], $0x80, v4, vm0, $0xb8;
	[tilespmem:$0x18180] =	vst v63  }
0xd1: {  	_ = 	snop  }
0xd2: {  	[tilespmem:s26], [sflag:$0x3] =	stream.indirect_vreg.gather [hbm4b:s4+s14], $0x80, v3, vm0, $0xb8;
	[tilespmem:$0x18180] =	vst v63  }
0xd3: {  	_ = 	snop  }
0xd4: {  	[tilespmem:s28], [sflag:$0x3] =	stream.indirect_vreg.gather [hbm4b:s13+s14], $0x80, v3, vm0, $0xb8;
	[tilespmem:$0x18180] =	vst v63  }
0xd5: {  	_ =	swait.ge [sflag:s29], $0x8000  }
0xd6: {  	[sflag:s29] =	ssyncset.done $0x0  }
0xd7: {  	[sflag:s29] =	ssyncadd.s32 $0xFFFF8000  }
0xd8: {  	_ =	swait.ge [sflag:s30], $0x8000  }
0xd9: {  	s5 =	simm.s32 $0x0;
	[sflag:s30] =	ssyncset.done $0x0  }
0xda: {  	s1 =	sand.u32 $0x7000, s5;
	[sflag:s30] =	ssyncadd.s32 $0xFFFF8000  }
0xdb: {  	s16 =	sand.u32 $0xC00, s14;
	s17 =	simm.s32 $0x0;
	_ =	swait.ge [sflag:s31], $0x8000  }
0xdc: {  	s1 =	sor.u32 s16, s1;
	s19 =	sand.u32 $0x380, s17;
	[sflag:s31] =	ssyncset.done $0x0  }
0xdd: {  	s1 =	sor.u32 s19, s1;
	[sflag:s31] =	ssyncadd.s32 $0xFFFF8000  }
0xde: {  	v8 =	vld [tilespmem:s1+$0x10180]  }
0xdf: {  	v7 =	vld [tilespmem:s1+$0x10190]  }
0xe0: {  	v6 =	vld [tilespmem:s1+$0x101A0]  }
0xe1: {  	v5 =	vld [tilespmem:s1+$0x101B0]  }
0xe2: {  	v4 =	vld [tilespmem:s1+$0x101C0]  }
0xe3: {  	v3 =	vld [tilespmem:s1+$0x101D0]  }
0xe4: {  	v16 =	vld [tilespmem:s1+$0x8180]  }
0xe5: {  	v15 =	vld [tilespmem:s1+$0x8190]  }
0xe6: {  	v14 =	vld [tilespmem:s1+$0x81A0]  }
0xe7: {  	v13 =	vld [tilespmem:s1+$0x81B0]  }
0xe8: {  	v12 =	vld [tilespmem:s1+$0x81C0]  }
0xe9: {  	v11 =	vld [tilespmem:s1+$0x81D0]  }
0xea: {  	v10 =	vld [tilespmem:s1+$0x81E0]  }
0xeb: {  	v9 =	vld [tilespmem:s1+$0x81F0]  }
0xec: {  	v21 =	vld [tilespmem:s1+$0x180]  }
0xed: {  	v20 =	vld [tilespmem:s1+$0x190]  }
0xee: {  	v19 =	vld [tilespmem:s1+$0x1A0]  }
0xef: {  	v18 =	vld [tilespmem:s1+$0x1B0]  }
0xf0: {  	s5 =	simm.s32 $0x0;
	v17 =	vld [tilespmem:s1+$0x1C0]  }
.LBB2_3:
0xf1: {  	s5 =	sadd.s32 $0x8, s5;
	v16 =	vadd.f32 v16, v21;
	v21 =	vld [tilespmem:s1+$0x1D0]  }
0xf2: {  	s14 =	sadd.s32 $0x400, s14;
	s16 =	sshll.u32 s5, $0x4;
	p0 =	slt.u32 s5, $0x7F8;
	v15 =	vadd.f32 v15, v20;
	v20 =	vld [tilespmem:s1+$0x1E0]  }
0xf3: {  	s17 =	sand.u32 $0xC00, s14;
	s19 =	sshll.u32 s5, $0x2;
	s16 =	sand.u32 $0x7000, s16;
	v8 =	vadd.f32 v8, v16;
	v14 =	vadd.f32 v14, v19;
	v16 =	vld [tilespmem:s1+$0x1F0]  }
0xf4: {  	s16 =	sor.u32 s17, s16;
	s17 =	sand.u32 $0x380, s19;
	v7 =	vadd.f32 v7, v15;
	v13 =	vadd.f32 v13, v18;
	v15 =	vld [tilespmem:s1+$0x101E0]  }
0xf5: {  	s16 =	sor.u32 s17, s16;
	[tilespmem:s1+$0x180] =	vst v8;
	v6 =	vadd.f32 v6, v14;
	v12 =	vadd.f32 v12, v17;
	v14 =	vld [tilespmem:s1+$0x101F0]  }
0xf6: {  	v8 =	vld [tilespmem:s16+$0x10180];
	[tilespmem:s1+$0x190] =	vst v7;
	v5 =	vadd.f32 v5, v13;
	v11 =	vadd.f32 v11, v21  }
0xf7: {  	v7 =	vld [tilespmem:s16+$0x10190];
	[tilespmem:s1+$0x1A0] =	vst v6;
	v4 =	vadd.f32 v4, v12;
	v10 =	vadd.f32 v10, v20  }
0xf8: {  	v6 =	vld [tilespmem:s16+$0x101A0];
	[tilespmem:s1+$0x1B0] =	vst v5;
	v3 =	vadd.f32 v3, v11;
	v9 =	vadd.f32 v9, v16  }
0xf9: {  	v5 =	vld [tilespmem:s16+$0x101B0];
	[tilespmem:s1+$0x1C0] =	vst v4;
	v10 =	vadd.f32 v15, v10  }
0xfa: {  	v4 =	vld [tilespmem:s16+$0x101C0];
	[tilespmem:s1+$0x1D0] =	vst v3;
	v9 =	vadd.f32 v14, v9  }
0xfb: {  	v3 =	vld [tilespmem:s16+$0x101D0];
	[tilespmem:s1+$0x1E0] =	vst v10  }
0xfc: {  	v16 =	vld [tilespmem:s16+$0x8180];
	[tilespmem:s1+$0x1F0] =	vst v9;
	s1 =	smov.u32 s16  }
0xfd: {  	v15 =	vld [tilespmem:s1+$0x8190]  }
0xfe: {  	v14 =	vld [tilespmem:s1+$0x81A0]  }
0xff: {  	v13 =	vld [tilespmem:s1+$0x81B0]  }
0x100: {  	v12 =	vld [tilespmem:s1+$0x81C0]  }
0x101: {  	v11 =	vld [tilespmem:s1+$0x81D0]  }
0x102: {  	v10 =	vld [tilespmem:s1+$0x81E0]  }
0x103: {  	v9 =	vld [tilespmem:s1+$0x81F0]  }
.Ltmp0:
0x104: {  	v21 =	vld [tilespmem:s1+$0x180];
	(pc) =	sbr.rel @p0 .LBB2_3-.Ltmp0, $4  }
0x105: {  	v20 =	vld [tilespmem:s1+$0x190]  }
0x106: {  	v19 =	vld [tilespmem:s1+$0x1A0]  }
0x107: {  	v18 =	vld [tilespmem:s1+$0x1B0]  }
0x108: {  	v17 =	vld [tilespmem:s1+$0x1C0]  }
0x109: {  	v16 =	vadd.f32 v16, v21;
	v55 =	vld [tilespmem:s1+$0x1D0]  }
0x10a: {  	v22 =	vld [tilespmem:s1+$0x1E0];
	v15 =	vadd.f32 v15, v20  }
0x10b: {  	v56 =	vld [tilespmem:s1+$0x1F0];
	v8 =	vadd.f32 v8, v16;
	v14 =	vadd.f32 v14, v19  }
0x10c: {  	v57 =	vld [tilespmem:s1+$0x101E0];
	v7 =	vadd.f32 v7, v15;
	v13 =	vadd.f32 v13, v18  }
0x10d: {  	v59 =	vld [tilespmem:s1+$0x101F0];
	[tilespmem:s1+$0x180] =	vst v8;
	v6 =	vadd.f32 v6, v14;
	v58 =	vadd.f32 v12, v17  }
0x10e: {  	[tilespmem:s1+$0x190] =	vst v7;
	v5 =	vadd.f32 v5, v13;
	v60 =	vadd.f32 v11, v55  }
0x10f: {  	v61 =	vadd.f32 v10, v22;
	[tilespmem:s1+$0x1A0] =	vst v6;
	v4 =	vadd.f32 v4, v58  }
0x110: {  	v62 =	vadd.f32 v9, v56;
	[tilespmem:s1+$0x1B0] =	vst v5;
	v3 =	vadd.f32 v3, v60  }
0x111: {  	v63 =	vadd.f32 v57, v61;
	[tilespmem:s1+$0x1C0] =	vst v4  }
0x112: {  	s0 =	sadd.s32 $0x1, s0;
	[tilespmem:s1+$0x1D0] =	vst v3;
	v3 =	vadd.f32 v59, v62  }
0x113: {  	s5 =	sshll.u32 s6, $0x6;
	p0 =	sne.s32 s0, $0x10;
	[tilespmem:s1+$0x1E0] =	vst v63  }
.Ltmp1:
0x114: {  	s19 =	simm.s32 $0x0;
	s17 =	sadd.s32 s9, s5;
	[tilespmem:s1+$0x1F0] =	vst v3;
	(pc) =	sbr.rel @p0 .LBB2_2-.Ltmp1, $4  }
0x115: {  	[hbm4b:s17+s19] =	stream.linear.scatter [tilespmem:s18], [sflag:$0x4], $0x8000, $0x38;
	[tilespmem:$0x18180] =	vst v63  }
0x116: {  	_ =	swait.ge [sflag:s15], $0x8000  }
0x117: {  	[sflag:s15] =	ssyncset.done $0x0  }
0x118: {  	[sflag:s15] =	ssyncadd.s32 $0xFFFF8000  }
0x119: {  	s1 =	rddreg [dreg:$0x7]  }
0x11a: {  	s0 =	rddreg [dreg:$0x6];
	s1 =	sadd.s32 $0x1, s1  }
0x11b: {  	p0 =	sne.s32 s1, s0  }
.Ltmp2:
0x11c: {  	_ = 	snop;
	(pc) =	sbr.rel @p0 .LBB2_1-.Ltmp2, $1  }
0x11d: {  	_ =	sdelay $0x3  }
0x11e: {  	_ =	sfence.sel $0x180000  }
0x11f: {  	[bflag:$0x0] =	sbarrier.arrive $0xFFFF  }
0x120: {  	_ =	strace $0x90000047  }
0x121: {  	s0 =	stileid.u32;
	[bflag:$0x2] =	sbarrier.arrive $0xFFFF  }
0x122: {  	p0 =	sne.s32 s0, $0x0;
	s0 =	rddreg [dreg:$0x5]  }
0x123: {  	s0 =	sadd.s32 @!p0 $0x100000, s0  }
0x124: {  	[sflag:s0] =	ssyncadd.tile.s32 @!p0 $0x1;
	_ =	shalt  }
.Lfunc_end2:
_tile_overlayer_lowered:
.L_overlay_start_2:
0x125: {  	(tag) =	ssettag $0x2  }
0x126: {  	s0 =	rddreg [dreg:$0x0];
	s2 =	stileid.u32  }
0x127: {  	s1 =	rddreg [dreg:$0x1];
	p0 =	sne.s32 s2, $0x0  }
0x128: {  	s3 =	rddreg [dreg:$0x2];
	[bflag:$0x3] =	sbarrier.arrive $0xFFFF;
	s2 =	simm.s32 @!p0 $0x1C04  }
0x129: {  	[timem:s3], [sflag:s2] =	dma.local @!p0 [hbm:s0], s1  }
0x12a: {  	s0 =	simm.s32 @!p0 $0x4  }
0x12b: {  	_ =	swait.ge @!p0 [sflag:s0], s1  }
0x12c: {  	s1 =	ssub.s32 @!p0 $0x0, s1;
	[sflag:s0] =	ssyncset.done @!p0 $0x0  }
0x12d: {  	[sflag:s0] =	ssyncadd.s32 @!p0 s1  }
0x12e: {  	[bflag:$0x3] =	sbarrier.arrive $0xFFFF  }
0x12f: {  	_ =	shalt  }

</sc_bundles>
